<compile_context>
chip_gen: v7x
topology: tpu7x:2x2x1
jax: 0.10.2.dev20260603
libtpu: 0.0.44.dev20260713+nightly
codegen_flags: <defaults>
</compile_context>

<pallas_src>
import functools

import jax
import jax.numpy as jnp
from jax import lax
from jax.experimental import pallas as pl
from jax.experimental.pallas import tpu as pltpu
from jax.experimental.pallas import tpu_sc as plsc

N = 10000
E = 160000
D = 128
DQ = 64

NC = 2
NS = 16
NW = NC * NS
EPT = E // NW
CH = 128
KC = (EPT + CH - 1) // CH
EPT_PAD = KC * CH
NPAD = 10112
RPT = NPAD // NS


def _sc_body(x_hbm, srcp_hbm, dstp_hbm, zrows_hbm, z1_hbm, ones1_hbm,
             agg_hbm, deg_hbm,
             src_idx_v, dst_idx_v, rows0_v, rows1_v, ones1_v,
             acc_sh, deg0_sh, deg1_sh, deg2_sh,
             sem0, sem1, sems0, sems1, semd):
    c = lax.axis_index("c")
    s = lax.axis_index("s")
    w = c * NS + s
    r0 = s * RPT
    degs = (deg0_sh, deg1_sh, deg2_sh)

    pltpu.sync_copy(ones1_hbm, ones1_v)
    @pl.when(s == 0)
    def _():
        for e in range(3):
            pltpu.sync_copy(z1_hbm, degs[e])

    for e in range(3):
        pltpu.sync_copy(zrows_hbm, acc_sh.at[pl.ds(r0, RPT)])
        pltpu.sync_copy(srcp_hbm.at[e, w], src_idx_v)
        pltpu.sync_copy(dstp_hbm.at[e, w], dst_idx_v)
        plsc.subcore_barrier()

        pltpu.async_copy(x_hbm.at[src_idx_v.at[0]], rows0_v, sem0)
        pltpu.async_copy(x_hbm.at[src_idx_v.at[1]], rows1_v, sem1)

        def gpair(j, carry):
            k = 2 * j
            pltpu.make_async_copy(x_hbm.at[src_idx_v.at[k]], rows0_v,
                                  sem0).wait()
            pltpu.async_copy(rows0_v, acc_sh.at[dst_idx_v.at[k]], sems0,
                             add=True)
            pltpu.async_copy(ones1_v, degs[e].at[dst_idx_v.at[k]],
                             semd, add=True)
            pltpu.make_async_copy(x_hbm.at[src_idx_v.at[k + 1]], rows1_v,
                                  sem1).wait()
            pltpu.async_copy(rows1_v, acc_sh.at[dst_idx_v.at[k + 1]], sems1,
                             add=True)
            pltpu.async_copy(ones1_v, degs[e].at[dst_idx_v.at[k + 1]],
                             semd, add=True)
            pltpu.make_async_copy(rows0_v, acc_sh.at[dst_idx_v.at[k]],
                                  sems0).wait()
            kn0 = jnp.minimum(k + 2, KC - 1)
            pltpu.async_copy(x_hbm.at[src_idx_v.at[kn0]], rows0_v, sem0)
            pltpu.make_async_copy(rows1_v, acc_sh.at[dst_idx_v.at[k + 1]],
                                  sems1).wait()
            kn1 = jnp.minimum(k + 3, KC - 1)
            pltpu.async_copy(x_hbm.at[src_idx_v.at[kn1]], rows1_v, sem1)
            return carry

        lax.fori_loop(0, KC // 2, gpair, 0)
        pltpu.make_async_copy(x_hbm.at[src_idx_v.at[KC - 1]], rows0_v,
                              sem0).wait()
        pltpu.make_async_copy(x_hbm.at[src_idx_v.at[KC - 1]], rows1_v,
                              sem1).wait()

        def ddrain(k, carry):
            pltpu.make_async_copy(ones1_v, degs[e].at[dst_idx_v.at[k]],
                                  semd).wait()
            return carry

        lax.fori_loop(0, KC, ddrain, 0)
        plsc.subcore_barrier()
        pltpu.sync_copy(acc_sh.at[pl.ds(r0, RPT)],
                        agg_hbm.at[e, c, pl.ds(r0, RPT)])

        @pl.when(s == 0)
        def _():
            pltpu.sync_copy(degs[e],
                            deg_hbm.at[pl.ds((2 * e + c) * NPAD, NPAD)])

        plsc.subcore_barrier()


def _sc_segment_sums(x, srcp, dstp):
    zrows = jnp.zeros((RPT, D), jnp.float32)
    z1 = jnp.zeros((NPAD,), jnp.float32)
    ones1 = jnp.ones((CH,), jnp.float32)
    mesh = plsc.VectorSubcoreMesh(core_axis_name="c", subcore_axis_name="s")
    fn = functools.partial(
        pl.kernel,
        out_type=(jax.ShapeDtypeStruct((3, NC, NPAD, D), jnp.float32),
                  jax.ShapeDtypeStruct((3 * NC * NPAD,), jnp.float32)),
        mesh=mesh,
        scratch_types=[
            pltpu.VMEM((KC, CH), jnp.int32),
            pltpu.VMEM((KC, CH), jnp.int32),
            pltpu.VMEM((CH, D), jnp.float32),
            pltpu.VMEM((CH, D), jnp.float32),
            pltpu.VMEM((CH,), jnp.float32),
            pltpu.VMEM_SHARED((NPAD, D), jnp.float32),
            pltpu.VMEM_SHARED((NPAD,), jnp.float32),
            pltpu.VMEM_SHARED((NPAD,), jnp.float32),
            pltpu.VMEM_SHARED((NPAD,), jnp.float32),
            pltpu.SemaphoreType.DMA,
            pltpu.SemaphoreType.DMA,
            pltpu.SemaphoreType.DMA,
            pltpu.SemaphoreType.DMA,
            pltpu.SemaphoreType.DMA,
        ],
    )(_sc_body)
    return fn(x, srcp, dstp, zrows, z1, ones1)


def _tc_body(agg_ref, deg_ref, w_ref, b_ref, a1_ref, ab1_ref, a2_ref,
             out_ref, attn_ref):
    ds = []
    ss = []
    for e in range(3):
        agge = agg_ref[e, 0] + agg_ref[e, 1]
        dege = deg_ref[e, 0, :, 0] + deg_ref[e, 1, :, 0]
        m = agge / jnp.maximum(dege, 1.0)[:, None]
        d_e = jnp.dot(m, w_ref[e], preferred_element_type=jnp.float32)
        d_e = d_e + b_ref[e][None, :]
        h = jnp.tanh(jnp.dot(d_e, a1_ref[e],
                             preferred_element_type=jnp.float32)
                     + ab1_ref[e][None, :])
        s_e = jnp.sum(h * a2_ref[e][None, :], axis=1)
        ds.append(d_e)
        ss.append(s_e)
    s = jnp.stack(ss, axis=0)
    mx = jnp.max(s, axis=0, keepdims=True)
    ex = jnp.exp(s - mx)
    att = ex / jnp.sum(ex, axis=0, keepdims=True)
    out_ref[...] = (att[0][:, None] * ds[0] + att[1][:, None] * ds[1]
                    + att[2][:, None] * ds[2])
    attn_ref[...] = att[:, :, None]


def _tc_combine(agg, deg, wst, bst, a1st, ab1st, a2st):
    B = 1000
    grid = (N // B,)
    return pl.pallas_call(
        _tc_body,
        grid=grid,
        in_specs=[
            pl.BlockSpec((3, NC, B, D), lambda i: (0, 0, i, 0)),
            pl.BlockSpec((3, NC, B, 1), lambda i: (0, 0, i, 0)),
            pl.BlockSpec((3, D, D), lambda i: (0, 0, 0)),
            pl.BlockSpec((3, D), lambda i: (0, 0)),
            pl.BlockSpec((3, D, DQ), lambda i: (0, 0, 0)),
            pl.BlockSpec((3, DQ), lambda i: (0, 0)),
            pl.BlockSpec((3, DQ), lambda i: (0, 0)),
        ],
        out_specs=[
            pl.BlockSpec((B, D), lambda i: (i, 0)),
            pl.BlockSpec((3, B, 1), lambda i: (0, i, 0)),
        ],
        out_shape=[
            jax.ShapeDtypeStruct((N, D), jnp.float32),
            jax.ShapeDtypeStruct((3, N, 1), jnp.float32),
        ],
    )(agg, deg, wst, bst, a1st, ab1st, a2st)


def kernel(x, edge_index_0, edge_index_1, edge_index_2,
           W0, b0, aw1_0, ab1_0, aw2_0,
           W1, b1, aw1_1, ab1_1, aw2_1,
           W2, b2, aw1_2, ab1_2, aw2_2):
    srcs = []
    dsts = []
    pad = EPT_PAD - EPT
    for ei in (edge_index_0, edge_index_1, edge_index_2):
        src = ei[0].reshape(NW, EPT)
        dst = ei[1].reshape(NW, EPT)
        src = jnp.pad(src, ((0, 0), (0, pad)))
        dst = jnp.pad(dst, ((0, 0), (0, pad)), constant_values=N)
        srcs.append(src.reshape(NW, KC, CH))
        dsts.append(dst.reshape(NW, KC, CH))
    srcp = jnp.stack(srcs, axis=0)
    dstp = jnp.stack(dsts, axis=0)

    agg, deg = _sc_segment_sums(x, srcp, dstp)
    deg = deg.reshape(3, NC, NPAD, 1)

    wst = jnp.stack([W0, W1, W2], axis=0)
    bst = jnp.stack([b0, b1, b2], axis=0)
    a1st = jnp.stack([aw1_0, aw1_1, aw1_2], axis=0)
    ab1st = jnp.stack([ab1_0, ab1_1, ab1_2], axis=0)
    a2st = jnp.stack([aw2_0[:, 0], aw2_1[:, 0], aw2_2[:, 0]], axis=0)

    out_embs, attn = _tc_combine(agg, deg, wst, bst, a1st, ab1st, a2st)
    return out_embs, attn

# --- scband reference (transcript-rebuilt; emitter-appended) ---
"""Pipeline reference for scband-hetero-graph-conv-22179211116731 (READ-ONLY COPY).

The authoritative reference and input builder live on the scoring server;
editing this copy changes nothing except your own understanding.
"""

import jax, jax.numpy as jnp
import numpy as np

N = 10000
E = 160000
D = 128
DQ = 64


def setup_inputs(seed: int = 0) -> dict:
    key = jax.random.key(seed)
    ks = jax.random.split(key, 24)
    inp = {}
    inp["x"] = jax.random.normal(ks[0], (N, D), dtype=jnp.float32)
    for e in range(3):
        inp[f"edge_index_{e}"] = jax.random.randint(ks[1 + e], (2, E), 0, N, dtype=jnp.int32)
    s = 1.0 / np.sqrt(D)
    sq = 1.0 / np.sqrt(DQ)
    for e in range(3):
        base = 4 + e * 5
        inp[f"W{e}"] = jax.random.normal(ks[base + 0], (D, D), dtype=jnp.float32) * s
        inp[f"b{e}"] = jnp.zeros((D,), dtype=jnp.float32)
        inp[f"aw1_{e}"] = jax.random.normal(ks[base + 2], (D, DQ), dtype=jnp.float32) * s
        inp[f"ab1_{e}"] = jnp.zeros((DQ,), dtype=jnp.float32)
        inp[f"aw2_{e}"] = jax.random.normal(ks[base + 4], (DQ, 1), dtype=jnp.float32) * sq
    return inp


def _conv(x, ei, W, b):
    # GraphConv-style relation module: gather src feats, mean-aggregate by dst, linear
    src = ei[0]
    dst = ei[1]
    msg = jnp.take(x, src, axis=0)
    agg = jax.ops.segment_sum(msg, dst, num_segments=N)
    deg = jax.ops.segment_sum(jnp.ones((ei.shape[1],), jnp.float32), dst, num_segments=N)
    agg = agg / jnp.maximum(deg, 1.0)[:, None]
    return agg @ W + b


def reference(x, edge_index_0, edge_index_1, edge_index_2,
              W0, b0, aw1_0, ab1_0, aw2_0,
              W1, b1, aw1_1, ab1_1, aw2_1,
              W2, b2, aw1_2, ab1_2, aw2_2):
    eis = [edge_index_0, edge_index_1, edge_index_2]
    params = [(W0, b0, aw1_0, ab1_0, aw2_0),
              (W1, b1, aw1_1, ab1_1, aw2_1),
              (W2, b2, aw1_2, ab1_2, aw2_2)]
    outputs = []
    et_scores = []
    for ei, (W, b, a1, ab1, a2) in zip(eis, params):
        dstdata = _conv(x, ei, W, b)
        outputs.append(dstdata)
        et_scores.append(jnp.tanh(dstdata @ a1 + ab1) @ a2)
    et_dst_data = jnp.stack(outputs, axis=0)      # [3, N, D]
    scores = jnp.stack(et_scores, axis=0)         # [3, N, 1]
    attn = jax.nn.softmax(scores, axis=0)
    out_embs = (attn * et_dst_data).sum(axis=0)
    return out_embs, attn

if __name__ == "__main__":
    import jax
    _d = setup_inputs()
    print(jax.jit(kernel)(*tuple(_d.values())))

</pallas_src>

<mosaic_0001>
#map = affine_map<(d0, d1) -> (0, 0)>
#map1 = affine_map<(d0, d1) -> (0, 0, 0, 0)>
#map2 = affine_map<(d0, d1) -> (0)>
module attributes {stable_mosaic.version = 14 : i64} {
  func.func @_sc_body(%arg0: i32, %arg1: i32, %arg2: memref<10000x128xf32, #tpu.memory_space<hbm>>, %arg3: memref<3x32x40x128xi32, #tpu.memory_space<hbm>>, %arg4: memref<3x32x40x128xi32, #tpu.memory_space<hbm>>, %arg5: memref<632x128xf32, #tpu.memory_space<hbm>>, %arg6: memref<10112xf32, #tpu.memory_space<hbm>>, %arg7: memref<128xf32, #tpu.memory_space<hbm>>, %arg8: memref<3x2x10112x128xf32, #tpu.memory_space<hbm>>, %arg9: memref<60672xf32, #tpu.memory_space<hbm>>, %arg10: memref<40x128xi32, #tpu.memory_space<vmem>>, %arg11: memref<40x128xi32, #tpu.memory_space<vmem>>, %arg12: memref<128x128xf32, #tpu.memory_space<vmem>>, %arg13: memref<128x128xf32, #tpu.memory_space<vmem>>, %arg14: memref<128xf32, #tpu.memory_space<vmem>>, %arg15: memref<10112x128xf32, #tpu.memory_space<vmem_shared>>, %arg16: memref<10112xf32, #tpu.memory_space<vmem_shared>>, %arg17: memref<10112xf32, #tpu.memory_space<vmem_shared>>, %arg18: memref<10112xf32, #tpu.memory_space<vmem_shared>>, %arg19: memref<!tpu.dma_semaphore, #tpu.memory_space<semaphore_mem>>, %arg20: memref<!tpu.dma_semaphore, #tpu.memory_space<semaphore_mem>>, %arg21: memref<!tpu.dma_semaphore, #tpu.memory_space<semaphore_mem>>, %arg22: memref<!tpu.dma_semaphore, #tpu.memory_space<semaphore_mem>>, %arg23: memref<!tpu.dma_semaphore, #tpu.memory_space<semaphore_mem>>) attributes {dimension_semantics = [#tpu.dimension_semantics<core_parallel>, #tpu.dimension_semantics<subcore_parallel>], iteration_bounds = array<i64: 2, 16>, scalar_prefetch = 0 : i64, scratch_operands = 14 : i64, tpu.core_type = #tpu.core_type<sc_vector_subcore>, window_params = [{transform_indices = #map}, {transform_indices = #map1}, {transform_indices = #map1}, {transform_indices = #map}, {transform_indices = #map2}, {transform_indices = #map2}, {transform_indices = #map1}, {transform_indices = #map2}]} {
    %mul3A = arith.constant 16 : i32
    %mul3A_0 = arith.muli %arg0, %mul3A : i32
    %add3A = arith.addi %mul3A_0, %arg1 : i32
    %mul3A_1 = arith.constant 632 : i32
    %mul3A_2 = arith.muli %arg1, %mul3A_1 : i32
    "tpu.region"() ({
      %run_scoped3A_153 = tpu.sem_alloc : memref<!tpu.dma_semaphore, #tpu.memory_space<semaphore_mem>>
      tpu.enqueue_dma source(%arg7 : memref<128xf32, #tpu.memory_space<hbm>>) target(%arg14 : memref<128xf32, #tpu.memory_space<vmem>>) target_semaphore(%run_scoped3A_153 : memref<!tpu.dma_semaphore, #tpu.memory_space<semaphore_mem>>)
      tpu.wait_dma2 semaphore(%run_scoped3A_153 : memref<!tpu.dma_semaphore, #tpu.memory_space<semaphore_mem>>) src(%arg7 : memref<128xf32, #tpu.memory_space<hbm>>) dst(%arg14 : memref<128xf32, #tpu.memory_space<vmem>>)
      tpu.yield
    }) : () -> ()
    %eq3A = arith.constant 0 : i32
    %eq3A_3 = arith.cmpi eq, %arg1, %eq3A : i32
    %convert_element_type3A = arith.extui %eq3A_3 : i1 to i32
    %cond3A = arith.constant 0 : i32
    %cond3A_4 = arith.cmpi ne, %convert_element_type3A, %cond3A : i32
    scf.if %cond3A_4 {
      "tpu.region"() ({
        %run_scoped3A_153 = tpu.sem_alloc : memref<!tpu.dma_semaphore, #tpu.memory_space<semaphore_mem>>
        tpu.enqueue_dma source(%arg6 : memref<10112xf32, #tpu.memory_space<hbm>>) target(%arg16 : memref<10112xf32, #tpu.memory_space<vmem_shared>>) target_semaphore(%run_scoped3A_153 : memref<!tpu.dma_semaphore, #tpu.memory_space<semaphore_mem>>)
        tpu.wait_dma2 semaphore(%run_scoped3A_153 : memref<!tpu.dma_semaphore, #tpu.memory_space<semaphore_mem>>) src(%arg6 : memref<10112xf32, #tpu.memory_space<hbm>>) dst(%arg16 : memref<10112xf32, #tpu.memory_space<vmem_shared>>)
        tpu.yield
      }) : () -> ()
      "tpu.region"() ({
        %run_scoped3A_153 = tpu.sem_alloc : memref<!tpu.dma_semaphore, #tpu.memory_space<semaphore_mem>>
        tpu.enqueue_dma source(%arg6 : memref<10112xf32, #tpu.memory_space<hbm>>) target(%arg17 : memref<10112xf32, #tpu.memory_space<vmem_shared>>) target_semaphore(%run_scoped3A_153 : memref<!tpu.dma_semaphore, #tpu.memory_space<semaphore_mem>>)
        tpu.wait_dma2 semaphore(%run_scoped3A_153 : memref<!tpu.dma_semaphore, #tpu.memory_space<semaphore_mem>>) src(%arg6 : memref<10112xf32, #tpu.memory_space<hbm>>) dst(%arg17 : memref<10112xf32, #tpu.memory_space<vmem_shared>>)
        tpu.yield
      }) : () -> ()
      "tpu.region"() ({
        %run_scoped3A_153 = tpu.sem_alloc : memref<!tpu.dma_semaphore, #tpu.memory_space<semaphore_mem>>
        tpu.enqueue_dma source(%arg6 : memref<10112xf32, #tpu.memory_space<hbm>>) target(%arg18 : memref<10112xf32, #tpu.memory_space<vmem_shared>>) target_semaphore(%run_scoped3A_153 : memref<!tpu.dma_semaphore, #tpu.memory_space<semaphore_mem>>)
        tpu.wait_dma2 semaphore(%run_scoped3A_153 : memref<!tpu.dma_semaphore, #tpu.memory_space<semaphore_mem>>) src(%arg6 : memref<10112xf32, #tpu.memory_space<hbm>>) dst(%arg18 : memref<10112xf32, #tpu.memory_space<vmem_shared>>)
        tpu.yield
      }) : () -> ()
    } else {
    }
    "tpu.region"() ({
      %run_scoped3A_153 = tpu.sem_alloc : memref<!tpu.dma_semaphore, #tpu.memory_space<semaphore_mem>>
      %dma_start3A_154 = arith.constant 0 : i32
      %dma_start3A_155 = tpu.memref_slice %arg15[%mul3A_2, %dma_start3A_154] : memref<10112x128xf32, #tpu.memory_space<vmem_shared>> -> memref<632x128xf32, #tpu.memory_space<vmem_shared>>
      tpu.enqueue_dma source(%arg5 : memref<632x128xf32, #tpu.memory_space<hbm>>) target(%dma_start3A_155 : memref<632x128xf32, #tpu.memory_space<vmem_shared>>) target_semaphore(%run_scoped3A_153 : memref<!tpu.dma_semaphore, #tpu.memory_space<semaphore_mem>>)
      %dma_wait3A_156 = arith.constant 0 : i32
      %dma_wait3A_157 = tpu.memref_slice %arg15[%mul3A_2, %dma_wait3A_156] : memref<10112x128xf32, #tpu.memory_space<vmem_shared>> -> memref<632x128xf32, #tpu.memory_space<vmem_shared>>
      tpu.wait_dma2 semaphore(%run_scoped3A_153 : memref<!tpu.dma_semaphore, #tpu.memory_space<semaphore_mem>>) src(%arg5 : memref<632x128xf32, #tpu.memory_space<hbm>>) dst(%dma_wait3A_157 : memref<632x128xf32, #tpu.memory_space<vmem_shared>>)
      tpu.yield
    }) : () -> ()
    %run_scoped3A = arith.constant 0 : i32
    "tpu.region"() ({
      %run_scoped3A_153 = tpu.sem_alloc : memref<!tpu.dma_semaphore, #tpu.memory_space<semaphore_mem>>
      %dma_start3A_154 = arith.constant 0 : i32
      %dma_start3A_155 = arith.constant 0 : i32
      %dma_start3A_156 = tpu.memref_slice %arg3[%run_scoped3A, %add3A, %dma_start3A_154, %dma_start3A_155] : memref<3x32x40x128xi32, #tpu.memory_space<hbm>> -> memref<1x1x40x128xi32, #tpu.memory_space<hbm>>
      %dma_start3A_157 = tpu.memref_squeeze %dma_start3A_156 : memref<1x1x40x128xi32, #tpu.memory_space<hbm>> -> memref<40x128xi32, #tpu.memory_space<hbm>>
      %dma_start3A_158 = arith.constant 0 : i32
      %dma_start3A_159 = arith.constant 0 : i32
      %dma_start3A_160 = tpu.memref_slice %arg3[%run_scoped3A, %add3A, %dma_start3A_158, %dma_start3A_159] : memref<3x32x40x128xi32, #tpu.memory_space<hbm>> -> memref<1x1x40x128xi32, #tpu.memory_space<hbm>>
      %dma_start3A_161 = tpu.memref_squeeze %dma_start3A_160 : memref<1x1x40x128xi32, #tpu.memory_space<hbm>> -> memref<40x128xi32, #tpu.memory_space<hbm>>
      tpu.enqueue_dma source(%dma_start3A_161 : memref<40x128xi32, #tpu.memory_space<hbm>>) target(%arg10 : memref<40x128xi32, #tpu.memory_space<vmem>>) target_semaphore(%run_scoped3A_153 : memref<!tpu.dma_semaphore, #tpu.memory_space<semaphore_mem>>)
      %dma_wait3A_162 = arith.constant 0 : i32
      %dma_wait3A_163 = arith.constant 0 : i32
      %dma_wait3A_164 = tpu.memref_slice %arg3[%run_scoped3A, %add3A, %dma_wait3A_162, %dma_wait3A_163] : memref<3x32x40x128xi32, #tpu.memory_space<hbm>> -> memref<1x1x40x128xi32, #tpu.memory_space<hbm>>
      %dma_wait3A_165 = tpu.memref_squeeze %dma_wait3A_164 : memref<1x1x40x128xi32, #tpu.memory_space<hbm>> -> memref<40x128xi32, #tpu.memory_space<hbm>>
      %dma_wait3A_166 = arith.constant 0 : i32
      %dma_wait3A_167 = arith.constant 0 : i32
      %dma_wait3A_168 = tpu.memref_slice %arg3[%run_scoped3A, %add3A, %dma_wait3A_166, %dma_wait3A_167] : memref<3x32x40x128xi32, #tpu.memory_space<hbm>> -> memref<1x1x40x128xi32, #tpu.memory_space<hbm>>
      %dma_wait3A_169 = tpu.memref_squeeze %dma_wait3A_168 : memref<1x1x40x128xi32, #tpu.memory_space<hbm>> -> memref<40x128xi32, #tpu.memory_space<hbm>>
      tpu.wait_dma2 semaphore(%run_scoped3A_153 : memref<!tpu.dma_semaphore, #tpu.memory_space<semaphore_mem>>) src(%dma_wait3A_169 : memref<40x128xi32, #tpu.memory_space<hbm>>) dst(%arg10 : memref<40x128xi32, #tpu.memory_space<vmem>>)
      tpu.yield
    }) : () -> ()
    %run_scoped3A_5 = arith.constant 0 : i32
    "tpu.region"() ({
      %run_scoped3A_153 = tpu.sem_alloc : memref<!tpu.dma_semaphore, #tpu.memory_space<semaphore_mem>>
      %dma_start3A_154 = arith.constant 0 : i32
      %dma_start3A_155 = arith.constant 0 : i32
      %dma_start3A_156 = tpu.memref_slice %arg4[%run_scoped3A_5, %add3A, %dma_start3A_154, %dma_start3A_155] : memref<3x32x40x128xi32, #tpu.memory_space<hbm>> -> memref<1x1x40x128xi32, #tpu.memory_space<hbm>>
      %dma_start3A_157 = tpu.memref_squeeze %dma_start3A_156 : memref<1x1x40x128xi32, #tpu.memory_space<hbm>> -> memref<40x128xi32, #tpu.memory_space<hbm>>
      %dma_start3A_158 = arith.constant 0 : i32
      %dma_start3A_159 = arith.constant 0 : i32
      %dma_start3A_160 = tpu.memref_slice %arg4[%run_scoped3A_5, %add3A, %dma_start3A_158, %dma_start3A_159] : memref<3x32x40x128xi32, #tpu.memory_space<hbm>> -> memref<1x1x40x128xi32, #tpu.memory_space<hbm>>
      %dma_start3A_161 = tpu.memref_squeeze %dma_start3A_160 : memref<1x1x40x128xi32, #tpu.memory_space<hbm>> -> memref<40x128xi32, #tpu.memory_space<hbm>>
      tpu.enqueue_dma source(%dma_start3A_161 : memref<40x128xi32, #tpu.memory_space<hbm>>) target(%arg11 : memref<40x128xi32, #tpu.memory_space<vmem>>) target_semaphore(%run_scoped3A_153 : memref<!tpu.dma_semaphore, #tpu.memory_space<semaphore_mem>>)
      %dma_wait3A_162 = arith.constant 0 : i32
      %dma_wait3A_163 = arith.constant 0 : i32
      %dma_wait3A_164 = tpu.memref_slice %arg4[%run_scoped3A_5, %add3A, %dma_wait3A_162, %dma_wait3A_163] : memref<3x32x40x128xi32, #tpu.memory_space<hbm>> -> memref<1x1x40x128xi32, #tpu.memory_space<hbm>>
      %dma_wait3A_165 = tpu.memref_squeeze %dma_wait3A_164 : memref<1x1x40x128xi32, #tpu.memory_space<hbm>> -> memref<40x128xi32, #tpu.memory_space<hbm>>
      %dma_wait3A_166 = arith.constant 0 : i32
      %dma_wait3A_167 = arith.constant 0 : i32
      %dma_wait3A_168 = tpu.memref_slice %arg4[%run_scoped3A_5, %add3A, %dma_wait3A_166, %dma_wait3A_167] : memref<3x32x40x128xi32, #tpu.memory_space<hbm>> -> memref<1x1x40x128xi32, #tpu.memory_space<hbm>>
      %dma_wait3A_169 = tpu.memref_squeeze %dma_wait3A_168 : memref<1x1x40x128xi32, #tpu.memory_space<hbm>> -> memref<40x128xi32, #tpu.memory_space<hbm>>
      tpu.wait_dma2 semaphore(%run_scoped3A_153 : memref<!tpu.dma_semaphore, #tpu.memory_space<semaphore_mem>>) src(%dma_wait3A_169 : memref<40x128xi32, #tpu.memory_space<hbm>>) dst(%arg11 : memref<40x128xi32, #tpu.memory_space<vmem>>)
      tpu.yield
    }) : () -> ()
    %barrier3A = arith.constant 0 : index
    tpu.barrier barrier_id(%barrier3A)
    %dma_start3A = arith.constant 0 : i32
    %dma_start3A_6 = arith.constant 0 : i32
    %dma_start3A_7 = tpu.memref_slice %arg10[%dma_start3A, %dma_start3A_6] : memref<40x128xi32, #tpu.memory_space<vmem>> -> memref<1x128xi32, #tpu.memory_space<vmem>>
    %dma_start3A_8 = tpu.memref_squeeze %dma_start3A_7 : memref<1x128xi32, #tpu.memory_space<vmem>> -> memref<128xi32, #tpu.memory_space<vmem>>
    %dma_start3A_9 = arith.constant 0 : i32
    %dma_start3A_10 = arith.constant 0 : i32
    %dma_start3A_11 = tpu.memref_slice %arg2[%dma_start3A_9, %dma_start3A_10] : memref<10000x128xf32, #tpu.memory_space<hbm>> -> memref<10000x128xf32, #tpu.memory_space<hbm>>
    tpu.enqueue_indirect_dma source(%dma_start3A_11 : memref<10000x128xf32, #tpu.memory_space<hbm>>) target(%arg12 : memref<128x128xf32, #tpu.memory_space<vmem>>) offsets(%dma_start3A_8 : memref<128xi32, #tpu.memory_space<vmem>>) semaphore(%arg19 : memref<!tpu.dma_semaphore, #tpu.memory_space<semaphore_mem>>)
    %dma_start3A_12 = arith.constant 1 : i32
    %dma_start3A_13 = arith.constant 0 : i32
    %dma_start3A_14 = tpu.memref_slice %arg10[%dma_start3A_12, %dma_start3A_13] : memref<40x128xi32, #tpu.memory_space<vmem>> -> memref<1x128xi32, #tpu.memory_space<vmem>>
    %dma_start3A_15 = tpu.memref_squeeze %dma_start3A_14 : memref<1x128xi32, #tpu.memory_space<vmem>> -> memref<128xi32, #tpu.memory_space<vmem>>
    %dma_start3A_16 = arith.constant 0 : i32
    %dma_start3A_17 = arith.constant 0 : i32
    %dma_start3A_18 = tpu.memref_slice %arg2[%dma_start3A_16, %dma_start3A_17] : memref<10000x128xf32, #tpu.memory_space<hbm>> -> memref<10000x128xf32, #tpu.memory_space<hbm>>
    tpu.enqueue_indirect_dma source(%dma_start3A_18 : memref<10000x128xf32, #tpu.memory_space<hbm>>) target(%arg13 : memref<128x128xf32, #tpu.memory_space<vmem>>) offsets(%dma_start3A_15 : memref<128xi32, #tpu.memory_space<vmem>>) semaphore(%arg20 : memref<!tpu.dma_semaphore, #tpu.memory_space<semaphore_mem>>)
    %scan3A = arith.constant 0 : i32
    %scan3A_19 = arith.constant 0 : i32
    %scan3A_20 = arith.constant 20 : i32
    %scan3A_21 = arith.addi %scan3A_19, %scan3A_20 : i32
    %scan3A_22 = arith.constant 1 : i32
    scf.for %scan3A_153 = %scan3A_19 to %scan3A_21 step %scan3A_22  : i32 {
      %mul3A_154 = arith.constant 2 : i32
      %mul3A_155 = arith.muli %mul3A_154, %scan3A_153 : i32
      %dma_wait3A_156 = arith.constant 0 : i32
      %dma_wait3A_157 = tpu.memref_slice %arg10[%mul3A_155, %dma_wait3A_156] : memref<40x128xi32, #tpu.memory_space<vmem>> -> memref<1x128xi32, #tpu.memory_space<vmem>>
      %dma_wait3A_158 = tpu.memref_squeeze %dma_wait3A_157 : memref<1x128xi32, #tpu.memory_space<vmem>> -> memref<128xi32, #tpu.memory_space<vmem>>
      %dma_wait3A_159 = arith.constant 0 : i32
      %dma_wait3A_160 = arith.constant 0 : i32
      %dma_wait3A_161 = tpu.memref_slice %arg2[%dma_wait3A_159, %dma_wait3A_160] : memref<10000x128xf32, #tpu.memory_space<hbm>> -> memref<10000x128xf32, #tpu.memory_space<hbm>>
      tpu.wait_indirect_dma semaphore(%arg19 : memref<!tpu.dma_semaphore, #tpu.memory_space<semaphore_mem>>) src(%dma_wait3A_161 : memref<10000x128xf32, #tpu.memory_space<hbm>>) dst(%arg12 : memref<128x128xf32, #tpu.memory_space<vmem>>)
      %dma_start3A_162 = arith.constant 0 : i32
      %dma_start3A_163 = tpu.memref_slice %arg11[%mul3A_155, %dma_start3A_162] : memref<40x128xi32, #tpu.memory_space<vmem>> -> memref<1x128xi32, #tpu.memory_space<vmem>>
      %dma_start3A_164 = tpu.memref_squeeze %dma_start3A_163 : memref<1x128xi32, #tpu.memory_space<vmem>> -> memref<128xi32, #tpu.memory_space<vmem>>
      %dma_start3A_165 = arith.constant 0 : i32
      %dma_start3A_166 = arith.constant 0 : i32
      %dma_start3A_167 = tpu.memref_slice %arg15[%dma_start3A_165, %dma_start3A_166] : memref<10112x128xf32, #tpu.memory_space<vmem_shared>> -> memref<10112x128xf32, #tpu.memory_space<vmem_shared>>
      tpu.enqueue_indirect_dma source(%arg12 : memref<128x128xf32, #tpu.memory_space<vmem>>) target(%dma_start3A_167 : memref<10112x128xf32, #tpu.memory_space<vmem_shared>>) offsets(%dma_start3A_164 : memref<128xi32, #tpu.memory_space<vmem>>) semaphore(%arg21 : memref<!tpu.dma_semaphore, #tpu.memory_space<semaphore_mem>>) {add = true}
      %dma_start3A_168 = arith.constant 0 : i32
      %dma_start3A_169 = tpu.memref_slice %arg11[%mul3A_155, %dma_start3A_168] : memref<40x128xi32, #tpu.memory_space<vmem>> -> memref<1x128xi32, #tpu.memory_space<vmem>>
      %dma_start3A_170 = tpu.memref_squeeze %dma_start3A_169 : memref<1x128xi32, #tpu.memory_space<vmem>> -> memref<128xi32, #tpu.memory_space<vmem>>
      %dma_start3A_171 = arith.constant 0 : i32
      %dma_start3A_172 = tpu.memref_slice %arg16[%dma_start3A_171] : memref<10112xf32, #tpu.memory_space<vmem_shared>> -> memref<10112xf32, #tpu.memory_space<vmem_shared>>
      tpu.enqueue_indirect_dma source(%arg14 : memref<128xf32, #tpu.memory_space<vmem>>) target(%dma_start3A_172 : memref<10112xf32, #tpu.memory_space<vmem_shared>>) offsets(%dma_start3A_170 : memref<128xi32, #tpu.memory_space<vmem>>) semaphore(%arg23 : memref<!tpu.dma_semaphore, #tpu.memory_space<semaphore_mem>>) {add = true}
      %add3A_173 = arith.constant 1 : i32
      %add3A_174 = arith.addi %mul3A_155, %add3A_173 : i32
      %dma_wait3A_175 = arith.constant 0 : i32
      %dma_wait3A_176 = tpu.memref_slice %arg10[%add3A_174, %dma_wait3A_175] : memref<40x128xi32, #tpu.memory_space<vmem>> -> memref<1x128xi32, #tpu.memory_space<vmem>>
      %dma_wait3A_177 = tpu.memref_squeeze %dma_wait3A_176 : memref<1x128xi32, #tpu.memory_space<vmem>> -> memref<128xi32, #tpu.memory_space<vmem>>
      %dma_wait3A_178 = arith.constant 0 : i32
      %dma_wait3A_179 = arith.constant 0 : i32
      %dma_wait3A_180 = tpu.memref_slice %arg2[%dma_wait3A_178, %dma_wait3A_179] : memref<10000x128xf32, #tpu.memory_space<hbm>> -> memref<10000x128xf32, #tpu.memory_space<hbm>>
      tpu.wait_indirect_dma semaphore(%arg20 : memref<!tpu.dma_semaphore, #tpu.memory_space<semaphore_mem>>) src(%dma_wait3A_180 : memref<10000x128xf32, #tpu.memory_space<hbm>>) dst(%arg13 : memref<128x128xf32, #tpu.memory_space<vmem>>)
      %add3A_181 = arith.constant 1 : i32
      %add3A_182 = arith.addi %mul3A_155, %add3A_181 : i32
      %dma_start3A_183 = arith.constant 0 : i32
      %dma_start3A_184 = tpu.memref_slice %arg11[%add3A_182, %dma_start3A_183] : memref<40x128xi32, #tpu.memory_space<vmem>> -> memref<1x128xi32, #tpu.memory_space<vmem>>
      %dma_start3A_185 = tpu.memref_squeeze %dma_start3A_184 : memref<1x128xi32, #tpu.memory_space<vmem>> -> memref<128xi32, #tpu.memory_space<vmem>>
      %dma_start3A_186 = arith.constant 0 : i32
      %dma_start3A_187 = arith.constant 0 : i32
      %dma_start3A_188 = tpu.memref_slice %arg15[%dma_start3A_186, %dma_start3A_187] : memref<10112x128xf32, #tpu.memory_space<vmem_shared>> -> memref<10112x128xf32, #tpu.memory_space<vmem_shared>>
      tpu.enqueue_indirect_dma source(%arg13 : memref<128x128xf32, #tpu.memory_space<vmem>>) target(%dma_start3A_188 : memref<10112x128xf32, #tpu.memory_space<vmem_shared>>) offsets(%dma_start3A_185 : memref<128xi32, #tpu.memory_space<vmem>>) semaphore(%arg22 : memref<!tpu.dma_semaphore, #tpu.memory_space<semaphore_mem>>) {add = true}
      %add3A_189 = arith.constant 1 : i32
      %add3A_190 = arith.addi %mul3A_155, %add3A_189 : i32
      %dma_start3A_191 = arith.constant 0 : i32
      %dma_start3A_192 = tpu.memref_slice %arg11[%add3A_190, %dma_start3A_191] : memref<40x128xi32, #tpu.memory_space<vmem>> -> memref<1x128xi32, #tpu.memory_space<vmem>>
      %dma_start3A_193 = tpu.memref_squeeze %dma_start3A_192 : memref<1x128xi32, #tpu.memory_space<vmem>> -> memref<128xi32, #tpu.memory_space<vmem>>
      %dma_start3A_194 = arith.constant 0 : i32
      %dma_start3A_195 = tpu.memref_slice %arg16[%dma_start3A_194] : memref<10112xf32, #tpu.memory_space<vmem_shared>> -> memref<10112xf32, #tpu.memory_space<vmem_shared>>
      tpu.enqueue_indirect_dma source(%arg14 : memref<128xf32, #tpu.memory_space<vmem>>) target(%dma_start3A_195 : memref<10112xf32, #tpu.memory_space<vmem_shared>>) offsets(%dma_start3A_193 : memref<128xi32, #tpu.memory_space<vmem>>) semaphore(%arg23 : memref<!tpu.dma_semaphore, #tpu.memory_space<semaphore_mem>>) {add = true}
      %dma_wait3A_196 = arith.constant 0 : i32
      %dma_wait3A_197 = tpu.memref_slice %arg11[%mul3A_155, %dma_wait3A_196] : memref<40x128xi32, #tpu.memory_space<vmem>> -> memref<1x128xi32, #tpu.memory_space<vmem>>
      %dma_wait3A_198 = tpu.memref_squeeze %dma_wait3A_197 : memref<1x128xi32, #tpu.memory_space<vmem>> -> memref<128xi32, #tpu.memory_space<vmem>>
      %dma_wait3A_199 = arith.constant 0 : i32
      %dma_wait3A_200 = arith.constant 0 : i32
      %dma_wait3A_201 = tpu.memref_slice %arg15[%dma_wait3A_199, %dma_wait3A_200] : memref<10112x128xf32, #tpu.memory_space<vmem_shared>> -> memref<10112x128xf32, #tpu.memory_space<vmem_shared>>
      tpu.wait_indirect_dma semaphore(%arg21 : memref<!tpu.dma_semaphore, #tpu.memory_space<semaphore_mem>>) src(%arg12 : memref<128x128xf32, #tpu.memory_space<vmem>>) dst(%dma_wait3A_201 : memref<10112x128xf32, #tpu.memory_space<vmem_shared>>)
      %add3A_202 = arith.constant 2 : i32
      %add3A_203 = arith.addi %mul3A_155, %add3A_202 : i32
      %min3A = arith.constant 39 : i32
      %min3A_204 = arith.minsi %add3A_203, %min3A : i32
      %dma_start3A_205 = arith.constant 0 : i32
      %dma_start3A_206 = tpu.memref_slice %arg10[%min3A_204, %dma_start3A_205] : memref<40x128xi32, #tpu.memory_space<vmem>> -> memref<1x128xi32, #tpu.memory_space<vmem>>
      %dma_start3A_207 = tpu.memref_squeeze %dma_start3A_206 : memref<1x128xi32, #tpu.memory_space<vmem>> -> memref<128xi32, #tpu.memory_space<vmem>>
      %dma_start3A_208 = arith.constant 0 : i32
      %dma_start3A_209 = arith.constant 0 : i32
      %dma_start3A_210 = tpu.memref_slice %arg2[%dma_start3A_208, %dma_start3A_209] : memref<10000x128xf32, #tpu.memory_space<hbm>> -> memref<10000x128xf32, #tpu.memory_space<hbm>>
      tpu.enqueue_indirect_dma source(%dma_start3A_210 : memref<10000x128xf32, #tpu.memory_space<hbm>>) target(%arg12 : memref<128x128xf32, #tpu.memory_space<vmem>>) offsets(%dma_start3A_207 : memref<128xi32, #tpu.memory_space<vmem>>) semaphore(%arg19 : memref<!tpu.dma_semaphore, #tpu.memory_space<semaphore_mem>>)
      %add3A_211 = arith.constant 1 : i32
      %add3A_212 = arith.addi %mul3A_155, %add3A_211 : i32
      %dma_wait3A_213 = arith.constant 0 : i32
      %dma_wait3A_214 = tpu.memref_slice %arg11[%add3A_212, %dma_wait3A_213] : memref<40x128xi32, #tpu.memory_space<vmem>> -> memref<1x128xi32, #tpu.memory_space<vmem>>
      %dma_wait3A_215 = tpu.memref_squeeze %dma_wait3A_214 : memref<1x128xi32, #tpu.memory_space<vmem>> -> memref<128xi32, #tpu.memory_space<vmem>>
      %dma_wait3A_216 = arith.constant 0 : i32
      %dma_wait3A_217 = arith.constant 0 : i32
      %dma_wait3A_218 = tpu.memref_slice %arg15[%dma_wait3A_216, %dma_wait3A_217] : memref<10112x128xf32, #tpu.memory_space<vmem_shared>> -> memref<10112x128xf32, #tpu.memory_space<vmem_shared>>
      tpu.wait_indirect_dma semaphore(%arg22 : memref<!tpu.dma_semaphore, #tpu.memory_space<semaphore_mem>>) src(%arg13 : memref<128x128xf32, #tpu.memory_space<vmem>>) dst(%dma_wait3A_218 : memref<10112x128xf32, #tpu.memory_space<vmem_shared>>)
      %add3A_219 = arith.constant 3 : i32
      %add3A_220 = arith.addi %mul3A_155, %add3A_219 : i32
      %min3A_221 = arith.constant 39 : i32
      %min3A_222 = arith.minsi %add3A_220, %min3A_221 : i32
      %dma_start3A_223 = arith.constant 0 : i32
      %dma_start3A_224 = tpu.memref_slice %arg10[%min3A_222, %dma_start3A_223] : memref<40x128xi32, #tpu.memory_space<vmem>> -> memref<1x128xi32, #tpu.memory_space<vmem>>
      %dma_start3A_225 = tpu.memref_squeeze %dma_start3A_224 : memref<1x128xi32, #tpu.memory_space<vmem>> -> memref<128xi32, #tpu.memory_space<vmem>>
      %dma_start3A_226 = arith.constant 0 : i32
      %dma_start3A_227 = arith.constant 0 : i32
      %dma_start3A_228 = tpu.memref_slice %arg2[%dma_start3A_226, %dma_start3A_227] : memref<10000x128xf32, #tpu.memory_space<hbm>> -> memref<10000x128xf32, #tpu.memory_space<hbm>>
      tpu.enqueue_indirect_dma source(%dma_start3A_228 : memref<10000x128xf32, #tpu.memory_space<hbm>>) target(%arg13 : memref<128x128xf32, #tpu.memory_space<vmem>>) offsets(%dma_start3A_225 : memref<128xi32, #tpu.memory_space<vmem>>) semaphore(%arg20 : memref<!tpu.dma_semaphore, #tpu.memory_space<semaphore_mem>>)
    }
    %scan3A_23 = arith.constant 20 : i32
    %dma_wait3A = arith.constant 39 : i32
    %dma_wait3A_24 = arith.constant 0 : i32
    %dma_wait3A_25 = tpu.memref_slice %arg10[%dma_wait3A, %dma_wait3A_24] : memref<40x128xi32, #tpu.memory_space<vmem>> -> memref<1x128xi32, #tpu.memory_space<vmem>>
    %dma_wait3A_26 = tpu.memref_squeeze %dma_wait3A_25 : memref<1x128xi32, #tpu.memory_space<vmem>> -> memref<128xi32, #tpu.memory_space<vmem>>
    %dma_wait3A_27 = arith.constant 0 : i32
    %dma_wait3A_28 = arith.constant 0 : i32
    %dma_wait3A_29 = tpu.memref_slice %arg2[%dma_wait3A_27, %dma_wait3A_28] : memref<10000x128xf32, #tpu.memory_space<hbm>> -> memref<10000x128xf32, #tpu.memory_space<hbm>>
    tpu.wait_indirect_dma semaphore(%arg19 : memref<!tpu.dma_semaphore, #tpu.memory_space<semaphore_mem>>) src(%dma_wait3A_29 : memref<10000x128xf32, #tpu.memory_space<hbm>>) dst(%arg12 : memref<128x128xf32, #tpu.memory_space<vmem>>)
    %dma_wait3A_30 = arith.constant 39 : i32
    %dma_wait3A_31 = arith.constant 0 : i32
    %dma_wait3A_32 = tpu.memref_slice %arg10[%dma_wait3A_30, %dma_wait3A_31] : memref<40x128xi32, #tpu.memory_space<vmem>> -> memref<1x128xi32, #tpu.memory_space<vmem>>
    %dma_wait3A_33 = tpu.memref_squeeze %dma_wait3A_32 : memref<1x128xi32, #tpu.memory_space<vmem>> -> memref<128xi32, #tpu.memory_space<vmem>>
    %dma_wait3A_34 = arith.constant 0 : i32
    %dma_wait3A_35 = arith.constant 0 : i32
    %dma_wait3A_36 = tpu.memref_slice %arg2[%dma_wait3A_34, %dma_wait3A_35] : memref<10000x128xf32, #tpu.memory_space<hbm>> -> memref<10000x128xf32, #tpu.memory_space<hbm>>
    tpu.wait_indirect_dma semaphore(%arg20 : memref<!tpu.dma_semaphore, #tpu.memory_space<semaphore_mem>>) src(%dma_wait3A_36 : memref<10000x128xf32, #tpu.memory_space<hbm>>) dst(%arg13 : memref<128x128xf32, #tpu.memory_space<vmem>>)
    %scan3A_37 = arith.constant 0 : i32
    %scan3A_38 = arith.constant 0 : i32
    %scan3A_39 = arith.constant 40 : i32
    %scan3A_40 = arith.addi %scan3A_38, %scan3A_39 : i32
    %scan3A_41 = arith.constant 1 : i32
    scf.for %scan3A_153 = %scan3A_38 to %scan3A_40 step %scan3A_41  : i32 {
      %dma_wait3A_154 = arith.constant 0 : i32
      %dma_wait3A_155 = tpu.memref_slice %arg11[%scan3A_153, %dma_wait3A_154] : memref<40x128xi32, #tpu.memory_space<vmem>> -> memref<1x128xi32, #tpu.memory_space<vmem>>
      %dma_wait3A_156 = tpu.memref_squeeze %dma_wait3A_155 : memref<1x128xi32, #tpu.memory_space<vmem>> -> memref<128xi32, #tpu.memory_space<vmem>>
      %dma_wait3A_157 = arith.constant 0 : i32
      %dma_wait3A_158 = tpu.memref_slice %arg16[%dma_wait3A_157] : memref<10112xf32, #tpu.memory_space<vmem_shared>> -> memref<10112xf32, #tpu.memory_space<vmem_shared>>
      tpu.wait_indirect_dma semaphore(%arg23 : memref<!tpu.dma_semaphore, #tpu.memory_space<semaphore_mem>>) src(%arg14 : memref<128xf32, #tpu.memory_space<vmem>>) dst(%dma_wait3A_158 : memref<10112xf32, #tpu.memory_space<vmem_shared>>)
    }
    %scan3A_42 = arith.constant 40 : i32
    %barrier3A_43 = arith.constant 0 : index
    tpu.barrier barrier_id(%barrier3A_43)
    %run_scoped3A_44 = arith.constant 0 : i32
    "tpu.region"() ({
      %run_scoped3A_153 = tpu.sem_alloc : memref<!tpu.dma_semaphore, #tpu.memory_space<semaphore_mem>>
      %dma_start3A_154 = arith.constant 0 : i32
      %dma_start3A_155 = tpu.memref_slice %arg8[%run_scoped3A_44, %arg0, %mul3A_2, %dma_start3A_154] : memref<3x2x10112x128xf32, #tpu.memory_space<hbm>> -> memref<1x1x632x128xf32, #tpu.memory_space<hbm>>
      %dma_start3A_156 = tpu.memref_squeeze %dma_start3A_155 : memref<1x1x632x128xf32, #tpu.memory_space<hbm>> -> memref<632x128xf32, #tpu.memory_space<hbm>>
      %dma_start3A_157 = arith.constant 0 : i32
      %dma_start3A_158 = tpu.memref_slice %arg15[%mul3A_2, %dma_start3A_157] : memref<10112x128xf32, #tpu.memory_space<vmem_shared>> -> memref<632x128xf32, #tpu.memory_space<vmem_shared>>
      tpu.enqueue_dma source(%dma_start3A_158 : memref<632x128xf32, #tpu.memory_space<vmem_shared>>) target(%dma_start3A_156 : memref<632x128xf32, #tpu.memory_space<hbm>>) target_semaphore(%run_scoped3A_153 : memref<!tpu.dma_semaphore, #tpu.memory_space<semaphore_mem>>)
      %dma_wait3A_159 = arith.constant 0 : i32
      %dma_wait3A_160 = tpu.memref_slice %arg8[%run_scoped3A_44, %arg0, %mul3A_2, %dma_wait3A_159] : memref<3x2x10112x128xf32, #tpu.memory_space<hbm>> -> memref<1x1x632x128xf32, #tpu.memory_space<hbm>>
      %dma_wait3A_161 = tpu.memref_squeeze %dma_wait3A_160 : memref<1x1x632x128xf32, #tpu.memory_space<hbm>> -> memref<632x128xf32, #tpu.memory_space<hbm>>
      %dma_wait3A_162 = arith.constant 0 : i32
      %dma_wait3A_163 = tpu.memref_slice %arg15[%mul3A_2, %dma_wait3A_162] : memref<10112x128xf32, #tpu.memory_space<vmem_shared>> -> memref<632x128xf32, #tpu.memory_space<vmem_shared>>
      tpu.wait_dma2 semaphore(%run_scoped3A_153 : memref<!tpu.dma_semaphore, #tpu.memory_space<semaphore_mem>>) src(%dma_wait3A_163 : memref<632x128xf32, #tpu.memory_space<vmem_shared>>) dst(%dma_wait3A_161 : memref<632x128xf32, #tpu.memory_space<hbm>>)
      tpu.yield
    }) : () -> ()
    %eq3A_45 = arith.constant 0 : i32
    %eq3A_46 = arith.cmpi eq, %arg1, %eq3A_45 : i32
    %convert_element_type3A_47 = arith.extui %eq3A_46 : i1 to i32
    %cond3A_48 = arith.constant 0 : i32
    %cond3A_49 = arith.cmpi ne, %convert_element_type3A_47, %cond3A_48 : i32
    scf.if %cond3A_49 {
      %add3A_153 = arith.constant 0 : i32
      %add3A_154 = arith.addi %add3A_153, %arg0 : i32
      %mul3A_155 = arith.constant 10112 : i32
      %mul3A_156 = arith.muli %add3A_154, %mul3A_155 : i32
      "tpu.region"() ({
        %run_scoped3A_157 = tpu.sem_alloc : memref<!tpu.dma_semaphore, #tpu.memory_space<semaphore_mem>>
        %dma_start3A_158 = tpu.memref_slice %arg9[%mul3A_156] : memref<60672xf32, #tpu.memory_space<hbm>> -> memref<10112xf32, #tpu.memory_space<hbm>>
        tpu.enqueue_dma source(%arg16 : memref<10112xf32, #tpu.memory_space<vmem_shared>>) target(%dma_start3A_158 : memref<10112xf32, #tpu.memory_space<hbm>>) target_semaphore(%run_scoped3A_157 : memref<!tpu.dma_semaphore, #tpu.memory_space<semaphore_mem>>)
        %dma_wait3A_159 = tpu.memref_slice %arg9[%mul3A_156] : memref<60672xf32, #tpu.memory_space<hbm>> -> memref<10112xf32, #tpu.memory_space<hbm>>
        tpu.wait_dma2 semaphore(%run_scoped3A_157 : memref<!tpu.dma_semaphore, #tpu.memory_space<semaphore_mem>>) src(%arg16 : memref<10112xf32, #tpu.memory_space<vmem_shared>>) dst(%dma_wait3A_159 : memref<10112xf32, #tpu.memory_space<hbm>>)
        tpu.yield
      }) : () -> ()
    } else {
    }
    %barrier3A_50 = arith.constant 0 : index
    tpu.barrier barrier_id(%barrier3A_50)
    "tpu.region"() ({
      %run_scoped3A_153 = tpu.sem_alloc : memref<!tpu.dma_semaphore, #tpu.memory_space<semaphore_mem>>
      %dma_start3A_154 = arith.constant 0 : i32
      %dma_start3A_155 = tpu.memref_slice %arg15[%mul3A_2, %dma_start3A_154] : memref<10112x128xf32, #tpu.memory_space<vmem_shared>> -> memref<632x128xf32, #tpu.memory_space<vmem_shared>>
      tpu.enqueue_dma source(%arg5 : memref<632x128xf32, #tpu.memory_space<hbm>>) target(%dma_start3A_155 : memref<632x128xf32, #tpu.memory_space<vmem_shared>>) target_semaphore(%run_scoped3A_153 : memref<!tpu.dma_semaphore, #tpu.memory_space<semaphore_mem>>)
      %dma_wait3A_156 = arith.constant 0 : i32
      %dma_wait3A_157 = tpu.memref_slice %arg15[%mul3A_2, %dma_wait3A_156] : memref<10112x128xf32, #tpu.memory_space<vmem_shared>> -> memref<632x128xf32, #tpu.memory_space<vmem_shared>>
      tpu.wait_dma2 semaphore(%run_scoped3A_153 : memref<!tpu.dma_semaphore, #tpu.memory_space<semaphore_mem>>) src(%arg5 : memref<632x128xf32, #tpu.memory_space<hbm>>) dst(%dma_wait3A_157 : memref<632x128xf32, #tpu.memory_space<vmem_shared>>)
      tpu.yield
    }) : () -> ()
    %run_scoped3A_51 = arith.constant 1 : i32
    "tpu.region"() ({
      %run_scoped3A_153 = tpu.sem_alloc : memref<!tpu.dma_semaphore, #tpu.memory_space<semaphore_mem>>
      %dma_start3A_154 = arith.constant 0 : i32
      %dma_start3A_155 = arith.constant 0 : i32
      %dma_start3A_156 = tpu.memref_slice %arg3[%run_scoped3A_51, %add3A, %dma_start3A_154, %dma_start3A_155] : memref<3x32x40x128xi32, #tpu.memory_space<hbm>> -> memref<1x1x40x128xi32, #tpu.memory_space<hbm>>
      %dma_start3A_157 = tpu.memref_squeeze %dma_start3A_156 : memref<1x1x40x128xi32, #tpu.memory_space<hbm>> -> memref<40x128xi32, #tpu.memory_space<hbm>>
      %dma_start3A_158 = arith.constant 0 : i32
      %dma_start3A_159 = arith.constant 0 : i32
      %dma_start3A_160 = tpu.memref_slice %arg3[%run_scoped3A_51, %add3A, %dma_start3A_158, %dma_start3A_159] : memref<3x32x40x128xi32, #tpu.memory_space<hbm>> -> memref<1x1x40x128xi32, #tpu.memory_space<hbm>>
      %dma_start3A_161 = tpu.memref_squeeze %dma_start3A_160 : memref<1x1x40x128xi32, #tpu.memory_space<hbm>> -> memref<40x128xi32, #tpu.memory_space<hbm>>
      tpu.enqueue_dma source(%dma_start3A_161 : memref<40x128xi32, #tpu.memory_space<hbm>>) target(%arg10 : memref<40x128xi32, #tpu.memory_space<vmem>>) target_semaphore(%run_scoped3A_153 : memref<!tpu.dma_semaphore, #tpu.memory_space<semaphore_mem>>)
      %dma_wait3A_162 = arith.constant 0 : i32
      %dma_wait3A_163 = arith.constant 0 : i32
      %dma_wait3A_164 = tpu.memref_slice %arg3[%run_scoped3A_51, %add3A, %dma_wait3A_162, %dma_wait3A_163] : memref<3x32x40x128xi32, #tpu.memory_space<hbm>> -> memref<1x1x40x128xi32, #tpu.memory_space<hbm>>
      %dma_wait3A_165 = tpu.memref_squeeze %dma_wait3A_164 : memref<1x1x40x128xi32, #tpu.memory_space<hbm>> -> memref<40x128xi32, #tpu.memory_space<hbm>>
      %dma_wait3A_166 = arith.constant 0 : i32
      %dma_wait3A_167 = arith.constant 0 : i32
      %dma_wait3A_168 = tpu.memref_slice %arg3[%run_scoped3A_51, %add3A, %dma_wait3A_166, %dma_wait3A_167] : memref<3x32x40x128xi32, #tpu.memory_space<hbm>> -> memref<1x1x40x128xi32, #tpu.memory_space<hbm>>
      %dma_wait3A_169 = tpu.memref_squeeze %dma_wait3A_168 : memref<1x1x40x128xi32, #tpu.memory_space<hbm>> -> memref<40x128xi32, #tpu.memory_space<hbm>>
      tpu.wait_dma2 semaphore(%run_scoped3A_153 : memref<!tpu.dma_semaphore, #tpu.memory_space<semaphore_mem>>) src(%dma_wait3A_169 : memref<40x128xi32, #tpu.memory_space<hbm>>) dst(%arg10 : memref<40x128xi32, #tpu.memory_space<vmem>>)
      tpu.yield
    }) : () -> ()
    %run_scoped3A_52 = arith.constant 1 : i32
    "tpu.region"() ({
      %run_scoped3A_153 = tpu.sem_alloc : memref<!tpu.dma_semaphore, #tpu.memory_space<semaphore_mem>>
      %dma_start3A_154 = arith.constant 0 : i32
      %dma_start3A_155 = arith.constant 0 : i32
      %dma_start3A_156 = tpu.memref_slice %arg4[%run_scoped3A_52, %add3A, %dma_start3A_154, %dma_start3A_155] : memref<3x32x40x128xi32, #tpu.memory_space<hbm>> -> memref<1x1x40x128xi32, #tpu.memory_space<hbm>>
      %dma_start3A_157 = tpu.memref_squeeze %dma_start3A_156 : memref<1x1x40x128xi32, #tpu.memory_space<hbm>> -> memref<40x128xi32, #tpu.memory_space<hbm>>
      %dma_start3A_158 = arith.constant 0 : i32
      %dma_start3A_159 = arith.constant 0 : i32
      %dma_start3A_160 = tpu.memref_slice %arg4[%run_scoped3A_52, %add3A, %dma_start3A_158, %dma_start3A_159] : memref<3x32x40x128xi32, #tpu.memory_space<hbm>> -> memref<1x1x40x128xi32, #tpu.memory_space<hbm>>
      %dma_start3A_161 = tpu.memref_squeeze %dma_start3A_160 : memref<1x1x40x128xi32, #tpu.memory_space<hbm>> -> memref<40x128xi32, #tpu.memory_space<hbm>>
      tpu.enqueue_dma source(%dma_start3A_161 : memref<40x128xi32, #tpu.memory_space<hbm>>) target(%arg11 : memref<40x128xi32, #tpu.memory_space<vmem>>) target_semaphore(%run_scoped3A_153 : memref<!tpu.dma_semaphore, #tpu.memory_space<semaphore_mem>>)
      %dma_wait3A_162 = arith.constant 0 : i32
      %dma_wait3A_163 = arith.constant 0 : i32
      %dma_wait3A_164 = tpu.memref_slice %arg4[%run_scoped3A_52, %add3A, %dma_wait3A_162, %dma_wait3A_163] : memref<3x32x40x128xi32, #tpu.memory_space<hbm>> -> memref<1x1x40x128xi32, #tpu.memory_space<hbm>>
      %dma_wait3A_165 = tpu.memref_squeeze %dma_wait3A_164 : memref<1x1x40x128xi32, #tpu.memory_space<hbm>> -> memref<40x128xi32, #tpu.memory_space<hbm>>
      %dma_wait3A_166 = arith.constant 0 : i32
      %dma_wait3A_167 = arith.constant 0 : i32
      %dma_wait3A_168 = tpu.memref_slice %arg4[%run_scoped3A_52, %add3A, %dma_wait3A_166, %dma_wait3A_167] : memref<3x32x40x128xi32, #tpu.memory_space<hbm>> -> memref<1x1x40x128xi32, #tpu.memory_space<hbm>>
      %dma_wait3A_169 = tpu.memref_squeeze %dma_wait3A_168 : memref<1x1x40x128xi32, #tpu.memory_space<hbm>> -> memref<40x128xi32, #tpu.memory_space<hbm>>
      tpu.wait_dma2 semaphore(%run_scoped3A_153 : memref<!tpu.dma_semaphore, #tpu.memory_space<semaphore_mem>>) src(%dma_wait3A_169 : memref<40x128xi32, #tpu.memory_space<hbm>>) dst(%arg11 : memref<40x128xi32, #tpu.memory_space<vmem>>)
      tpu.yield
    }) : () -> ()
    %barrier3A_53 = arith.constant 0 : index
    tpu.barrier barrier_id(%barrier3A_53)
    %dma_start3A_54 = arith.constant 0 : i32
    %dma_start3A_55 = arith.constant 0 : i32
    %dma_start3A_56 = tpu.memref_slice %arg10[%dma_start3A_54, %dma_start3A_55] : memref<40x128xi32, #tpu.memory_space<vmem>> -> memref<1x128xi32, #tpu.memory_space<vmem>>
    %dma_start3A_57 = tpu.memref_squeeze %dma_start3A_56 : memref<1x128xi32, #tpu.memory_space<vmem>> -> memref<128xi32, #tpu.memory_space<vmem>>
    %dma_start3A_58 = arith.constant 0 : i32
    %dma_start3A_59 = arith.constant 0 : i32
    %dma_start3A_60 = tpu.memref_slice %arg2[%dma_start3A_58, %dma_start3A_59] : memref<10000x128xf32, #tpu.memory_space<hbm>> -> memref<10000x128xf32, #tpu.memory_space<hbm>>
    tpu.enqueue_indirect_dma source(%dma_start3A_60 : memref<10000x128xf32, #tpu.memory_space<hbm>>) target(%arg12 : memref<128x128xf32, #tpu.memory_space<vmem>>) offsets(%dma_start3A_57 : memref<128xi32, #tpu.memory_space<vmem>>) semaphore(%arg19 : memref<!tpu.dma_semaphore, #tpu.memory_space<semaphore_mem>>)
    %dma_start3A_61 = arith.constant 1 : i32
    %dma_start3A_62 = arith.constant 0 : i32
    %dma_start3A_63 = tpu.memref_slice %arg10[%dma_start3A_61, %dma_start3A_62] : memref<40x128xi32, #tpu.memory_space<vmem>> -> memref<1x128xi32, #tpu.memory_space<vmem>>
    %dma_start3A_64 = tpu.memref_squeeze %dma_start3A_63 : memref<1x128xi32, #tpu.memory_space<vmem>> -> memref<128xi32, #tpu.memory_space<vmem>>
    %dma_start3A_65 = arith.constant 0 : i32
    %dma_start3A_66 = arith.constant 0 : i32
    %dma_start3A_67 = tpu.memref_slice %arg2[%dma_start3A_65, %dma_start3A_66] : memref<10000x128xf32, #tpu.memory_space<hbm>> -> memref<10000x128xf32, #tpu.memory_space<hbm>>
    tpu.enqueue_indirect_dma source(%dma_start3A_67 : memref<10000x128xf32, #tpu.memory_space<hbm>>) target(%arg13 : memref<128x128xf32, #tpu.memory_space<vmem>>) offsets(%dma_start3A_64 : memref<128xi32, #tpu.memory_space<vmem>>) semaphore(%arg20 : memref<!tpu.dma_semaphore, #tpu.memory_space<semaphore_mem>>)
    %scan3A_68 = arith.constant 0 : i32
    %scan3A_69 = arith.constant 0 : i32
    %scan3A_70 = arith.constant 20 : i32
    %scan3A_71 = arith.addi %scan3A_69, %scan3A_70 : i32
    %scan3A_72 = arith.constant 1 : i32
    scf.for %scan3A_153 = %scan3A_69 to %scan3A_71 step %scan3A_72  : i32 {
      %mul3A_154 = arith.constant 2 : i32
      %mul3A_155 = arith.muli %mul3A_154, %scan3A_153 : i32
      %dma_wait3A_156 = arith.constant 0 : i32
      %dma_wait3A_157 = tpu.memref_slice %arg10[%mul3A_155, %dma_wait3A_156] : memref<40x128xi32, #tpu.memory_space<vmem>> -> memref<1x128xi32, #tpu.memory_space<vmem>>
      %dma_wait3A_158 = tpu.memref_squeeze %dma_wait3A_157 : memref<1x128xi32, #tpu.memory_space<vmem>> -> memref<128xi32, #tpu.memory_space<vmem>>
      %dma_wait3A_159 = arith.constant 0 : i32
      %dma_wait3A_160 = arith.constant 0 : i32
      %dma_wait3A_161 = tpu.memref_slice %arg2[%dma_wait3A_159, %dma_wait3A_160] : memref<10000x128xf32, #tpu.memory_space<hbm>> -> memref<10000x128xf32, #tpu.memory_space<hbm>>
      tpu.wait_indirect_dma semaphore(%arg19 : memref<!tpu.dma_semaphore, #tpu.memory_space<semaphore_mem>>) src(%dma_wait3A_161 : memref<10000x128xf32, #tpu.memory_space<hbm>>) dst(%arg12 : memref<128x128xf32, #tpu.memory_space<vmem>>)
      %dma_start3A_162 = arith.constant 0 : i32
      %dma_start3A_163 = tpu.memref_slice %arg11[%mul3A_155, %dma_start3A_162] : memref<40x128xi32, #tpu.memory_space<vmem>> -> memref<1x128xi32, #tpu.memory_space<vmem>>
      %dma_start3A_164 = tpu.memref_squeeze %dma_start3A_163 : memref<1x128xi32, #tpu.memory_space<vmem>> -> memref<128xi32, #tpu.memory_space<vmem>>
      %dma_start3A_165 = arith.constant 0 : i32
      %dma_start3A_166 = arith.constant 0 : i32
      %dma_start3A_167 = tpu.memref_slice %arg15[%dma_start3A_165, %dma_start3A_166] : memref<10112x128xf32, #tpu.memory_space<vmem_shared>> -> memref<10112x128xf32, #tpu.memory_space<vmem_shared>>
      tpu.enqueue_indirect_dma source(%arg12 : memref<128x128xf32, #tpu.memory_space<vmem>>) target(%dma_start3A_167 : memref<10112x128xf32, #tpu.memory_space<vmem_shared>>) offsets(%dma_start3A_164 : memref<128xi32, #tpu.memory_space<vmem>>) semaphore(%arg21 : memref<!tpu.dma_semaphore, #tpu.memory_space<semaphore_mem>>) {add = true}
      %dma_start3A_168 = arith.constant 0 : i32
      %dma_start3A_169 = tpu.memref_slice %arg11[%mul3A_155, %dma_start3A_168] : memref<40x128xi32, #tpu.memory_space<vmem>> -> memref<1x128xi32, #tpu.memory_space<vmem>>
      %dma_start3A_170 = tpu.memref_squeeze %dma_start3A_169 : memref<1x128xi32, #tpu.memory_space<vmem>> -> memref<128xi32, #tpu.memory_space<vmem>>
      %dma_start3A_171 = arith.constant 0 : i32
      %dma_start3A_172 = tpu.memref_slice %arg17[%dma_start3A_171] : memref<10112xf32, #tpu.memory_space<vmem_shared>> -> memref<10112xf32, #tpu.memory_space<vmem_shared>>
      tpu.enqueue_indirect_dma source(%arg14 : memref<128xf32, #tpu.memory_space<vmem>>) target(%dma_start3A_172 : memref<10112xf32, #tpu.memory_space<vmem_shared>>) offsets(%dma_start3A_170 : memref<128xi32, #tpu.memory_space<vmem>>) semaphore(%arg23 : memref<!tpu.dma_semaphore, #tpu.memory_space<semaphore_mem>>) {add = true}
      %add3A_173 = arith.constant 1 : i32
      %add3A_174 = arith.addi %mul3A_155, %add3A_173 : i32
      %dma_wait3A_175 = arith.constant 0 : i32
      %dma_wait3A_176 = tpu.memref_slice %arg10[%add3A_174, %dma_wait3A_175] : memref<40x128xi32, #tpu.memory_space<vmem>> -> memref<1x128xi32, #tpu.memory_space<vmem>>
      %dma_wait3A_177 = tpu.memref_squeeze %dma_wait3A_176 : memref<1x128xi32, #tpu.memory_space<vmem>> -> memref<128xi32, #tpu.memory_space<vmem>>
      %dma_wait3A_178 = arith.constant 0 : i32
      %dma_wait3A_179 = arith.constant 0 : i32
      %dma_wait3A_180 = tpu.memref_slice %arg2[%dma_wait3A_178, %dma_wait3A_179] : memref<10000x128xf32, #tpu.memory_space<hbm>> -> memref<10000x128xf32, #tpu.memory_space<hbm>>
      tpu.wait_indirect_dma semaphore(%arg20 : memref<!tpu.dma_semaphore, #tpu.memory_space<semaphore_mem>>) src(%dma_wait3A_180 : memref<10000x128xf32, #tpu.memory_space<hbm>>) dst(%arg13 : memref<128x128xf32, #tpu.memory_space<vmem>>)
      %add3A_181 = arith.constant 1 : i32
      %add3A_182 = arith.addi %mul3A_155, %add3A_181 : i32
      %dma_start3A_183 = arith.constant 0 : i32
      %dma_start3A_184 = tpu.memref_slice %arg11[%add3A_182, %dma_start3A_183] : memref<40x128xi32, #tpu.memory_space<vmem>> -> memref<1x128xi32, #tpu.memory_space<vmem>>
      %dma_start3A_185 = tpu.memref_squeeze %dma_start3A_184 : memref<1x128xi32, #tpu.memory_space<vmem>> -> memref<128xi32, #tpu.memory_space<vmem>>
      %dma_start3A_186 = arith.constant 0 : i32
      %dma_start3A_187 = arith.constant 0 : i32
      %dma_start3A_188 = tpu.memref_slice %arg15[%dma_start3A_186, %dma_start3A_187] : memref<10112x128xf32, #tpu.memory_space<vmem_shared>> -> memref<10112x128xf32, #tpu.memory_space<vmem_shared>>
      tpu.enqueue_indirect_dma source(%arg13 : memref<128x128xf32, #tpu.memory_space<vmem>>) target(%dma_start3A_188 : memref<10112x128xf32, #tpu.memory_space<vmem_shared>>) offsets(%dma_start3A_185 : memref<128xi32, #tpu.memory_space<vmem>>) semaphore(%arg22 : memref<!tpu.dma_semaphore, #tpu.memory_space<semaphore_mem>>) {add = true}
      %add3A_189 = arith.constant 1 : i32
      %add3A_190 = arith.addi %mul3A_155, %add3A_189 : i32
      %dma_start3A_191 = arith.constant 0 : i32
      %dma_start3A_192 = tpu.memref_slice %arg11[%add3A_190, %dma_start3A_191] : memref<40x128xi32, #tpu.memory_space<vmem>> -> memref<1x128xi32, #tpu.memory_space<vmem>>
      %dma_start3A_193 = tpu.memref_squeeze %dma_start3A_192 : memref<1x128xi32, #tpu.memory_space<vmem>> -> memref<128xi32, #tpu.memory_space<vmem>>
      %dma_start3A_194 = arith.constant 0 : i32
      %dma_start3A_195 = tpu.memref_slice %arg17[%dma_start3A_194] : memref<10112xf32, #tpu.memory_space<vmem_shared>> -> memref<10112xf32, #tpu.memory_space<vmem_shared>>
      tpu.enqueue_indirect_dma source(%arg14 : memref<128xf32, #tpu.memory_space<vmem>>) target(%dma_start3A_195 : memref<10112xf32, #tpu.memory_space<vmem_shared>>) offsets(%dma_start3A_193 : memref<128xi32, #tpu.memory_space<vmem>>) semaphore(%arg23 : memref<!tpu.dma_semaphore, #tpu.memory_space<semaphore_mem>>) {add = true}
      %dma_wait3A_196 = arith.constant 0 : i32
      %dma_wait3A_197 = tpu.memref_slice %arg11[%mul3A_155, %dma_wait3A_196] : memref<40x128xi32, #tpu.memory_space<vmem>> -> memref<1x128xi32, #tpu.memory_space<vmem>>
      %dma_wait3A_198 = tpu.memref_squeeze %dma_wait3A_197 : memref<1x128xi32, #tpu.memory_space<vmem>> -> memref<128xi32, #tpu.memory_space<vmem>>
      %dma_wait3A_199 = arith.constant 0 : i32
      %dma_wait3A_200 = arith.constant 0 : i32
      %dma_wait3A_201 = tpu.memref_slice %arg15[%dma_wait3A_199, %dma_wait3A_200] : memref<10112x128xf32, #tpu.memory_space<vmem_shared>> -> memref<10112x128xf32, #tpu.memory_space<vmem_shared>>
      tpu.wait_indirect_dma semaphore(%arg21 : memref<!tpu.dma_semaphore, #tpu.memory_space<semaphore_mem>>) src(%arg12 : memref<128x128xf32, #tpu.memory_space<vmem>>) dst(%dma_wait3A_201 : memref<10112x128xf32, #tpu.memory_space<vmem_shared>>)
      %add3A_202 = arith.constant 2 : i32
      %add3A_203 = arith.addi %mul3A_155, %add3A_202 : i32
      %min3A = arith.constant 39 : i32
      %min3A_204 = arith.minsi %add3A_203, %min3A : i32
      %dma_start3A_205 = arith.constant 0 : i32
      %dma_start3A_206 = tpu.memref_slice %arg10[%min3A_204, %dma_start3A_205] : memref<40x128xi32, #tpu.memory_space<vmem>> -> memref<1x128xi32, #tpu.memory_space<vmem>>
      %dma_start3A_207 = tpu.memref_squeeze %dma_start3A_206 : memref<1x128xi32, #tpu.memory_space<vmem>> -> memref<128xi32, #tpu.memory_space<vmem>>
      %dma_start3A_208 = arith.constant 0 : i32
      %dma_start3A_209 = arith.constant 0 : i32
      %dma_start3A_210 = tpu.memref_slice %arg2[%dma_start3A_208, %dma_start3A_209] : memref<10000x128xf32, #tpu.memory_space<hbm>> -> memref<10000x128xf32, #tpu.memory_space<hbm>>
      tpu.enqueue_indirect_dma source(%dma_start3A_210 : memref<10000x128xf32, #tpu.memory_space<hbm>>) target(%arg12 : memref<128x128xf32, #tpu.memory_space<vmem>>) offsets(%dma_start3A_207 : memref<128xi32, #tpu.memory_space<vmem>>) semaphore(%arg19 : memref<!tpu.dma_semaphore, #tpu.memory_space<semaphore_mem>>)
      %add3A_211 = arith.constant 1 : i32
      %add3A_212 = arith.addi %mul3A_155, %add3A_211 : i32
      %dma_wait3A_213 = arith.constant 0 : i32
      %dma_wait3A_214 = tpu.memref_slice %arg11[%add3A_212, %dma_wait3A_213] : memref<40x128xi32, #tpu.memory_space<vmem>> -> memref<1x128xi32, #tpu.memory_space<vmem>>
      %dma_wait3A_215 = tpu.memref_squeeze %dma_wait3A_214 : memref<1x128xi32, #tpu.memory_space<vmem>> -> memref<128xi32, #tpu.memory_space<vmem>>
      %dma_wait3A_216 = arith.constant 0 : i32
      %dma_wait3A_217 = arith.constant 0 : i32
      %dma_wait3A_218 = tpu.memref_slice %arg15[%dma_wait3A_216, %dma_wait3A_217] : memref<10112x128xf32, #tpu.memory_space<vmem_shared>> -> memref<10112x128xf32, #tpu.memory_space<vmem_shared>>
      tpu.wait_indirect_dma semaphore(%arg22 : memref<!tpu.dma_semaphore, #tpu.memory_space<semaphore_mem>>) src(%arg13 : memref<128x128xf32, #tpu.memory_space<vmem>>) dst(%dma_wait3A_218 : memref<10112x128xf32, #tpu.memory_space<vmem_shared>>)
      %add3A_219 = arith.constant 3 : i32
      %add3A_220 = arith.addi %mul3A_155, %add3A_219 : i32
      %min3A_221 = arith.constant 39 : i32
      %min3A_222 = arith.minsi %add3A_220, %min3A_221 : i32
      %dma_start3A_223 = arith.constant 0 : i32
      %dma_start3A_224 = tpu.memref_slice %arg10[%min3A_222, %dma_start3A_223] : memref<40x128xi32, #tpu.memory_space<vmem>> -> memref<1x128xi32, #tpu.memory_space<vmem>>
      %dma_start3A_225 = tpu.memref_squeeze %dma_start3A_224 : memref<1x128xi32, #tpu.memory_space<vmem>> -> memref<128xi32, #tpu.memory_space<vmem>>
      %dma_start3A_226 = arith.constant 0 : i32
      %dma_start3A_227 = arith.constant 0 : i32
      %dma_start3A_228 = tpu.memref_slice %arg2[%dma_start3A_226, %dma_start3A_227] : memref<10000x128xf32, #tpu.memory_space<hbm>> -> memref<10000x128xf32, #tpu.memory_space<hbm>>
      tpu.enqueue_indirect_dma source(%dma_start3A_228 : memref<10000x128xf32, #tpu.memory_space<hbm>>) target(%arg13 : memref<128x128xf32, #tpu.memory_space<vmem>>) offsets(%dma_start3A_225 : memref<128xi32, #tpu.memory_space<vmem>>) semaphore(%arg20 : memref<!tpu.dma_semaphore, #tpu.memory_space<semaphore_mem>>)
    }
    %scan3A_73 = arith.constant 20 : i32
    %dma_wait3A_74 = arith.constant 39 : i32
    %dma_wait3A_75 = arith.constant 0 : i32
    %dma_wait3A_76 = tpu.memref_slice %arg10[%dma_wait3A_74, %dma_wait3A_75] : memref<40x128xi32, #tpu.memory_space<vmem>> -> memref<1x128xi32, #tpu.memory_space<vmem>>
    %dma_wait3A_77 = tpu.memref_squeeze %dma_wait3A_76 : memref<1x128xi32, #tpu.memory_space<vmem>> -> memref<128xi32, #tpu.memory_space<vmem>>
    %dma_wait3A_78 = arith.constant 0 : i32
    %dma_wait3A_79 = arith.constant 0 : i32
    %dma_wait3A_80 = tpu.memref_slice %arg2[%dma_wait3A_78, %dma_wait3A_79] : memref<10000x128xf32, #tpu.memory_space<hbm>> -> memref<10000x128xf32, #tpu.memory_space<hbm>>
    tpu.wait_indirect_dma semaphore(%arg19 : memref<!tpu.dma_semaphore, #tpu.memory_space<semaphore_mem>>) src(%dma_wait3A_80 : memref<10000x128xf32, #tpu.memory_space<hbm>>) dst(%arg12 : memref<128x128xf32, #tpu.memory_space<vmem>>)
    %dma_wait3A_81 = arith.constant 39 : i32
    %dma_wait3A_82 = arith.constant 0 : i32
    %dma_wait3A_83 = tpu.memref_slice %arg10[%dma_wait3A_81, %dma_wait3A_82] : memref<40x128xi32, #tpu.memory_space<vmem>> -> memref<1x128xi32, #tpu.memory_space<vmem>>
    %dma_wait3A_84 = tpu.memref_squeeze %dma_wait3A_83 : memref<1x128xi32, #tpu.memory_space<vmem>> -> memref<128xi32, #tpu.memory_space<vmem>>
    %dma_wait3A_85 = arith.constant 0 : i32
    %dma_wait3A_86 = arith.constant 0 : i32
    %dma_wait3A_87 = tpu.memref_slice %arg2[%dma_wait3A_85, %dma_wait3A_86] : memref<10000x128xf32, #tpu.memory_space<hbm>> -> memref<10000x128xf32, #tpu.memory_space<hbm>>
    tpu.wait_indirect_dma semaphore(%arg20 : memref<!tpu.dma_semaphore, #tpu.memory_space<semaphore_mem>>) src(%dma_wait3A_87 : memref<10000x128xf32, #tpu.memory_space<hbm>>) dst(%arg13 : memref<128x128xf32, #tpu.memory_space<vmem>>)
    %scan3A_88 = arith.constant 0 : i32
    %scan3A_89 = arith.constant 0 : i32
    %scan3A_90 = arith.constant 40 : i32
    %scan3A_91 = arith.addi %scan3A_89, %scan3A_90 : i32
    %scan3A_92 = arith.constant 1 : i32
    scf.for %scan3A_153 = %scan3A_89 to %scan3A_91 step %scan3A_92  : i32 {
      %dma_wait3A_154 = arith.constant 0 : i32
      %dma_wait3A_155 = tpu.memref_slice %arg11[%scan3A_153, %dma_wait3A_154] : memref<40x128xi32, #tpu.memory_space<vmem>> -> memref<1x128xi32, #tpu.memory_space<vmem>>
      %dma_wait3A_156 = tpu.memref_squeeze %dma_wait3A_155 : memref<1x128xi32, #tpu.memory_space<vmem>> -> memref<128xi32, #tpu.memory_space<vmem>>
      %dma_wait3A_157 = arith.constant 0 : i32
      %dma_wait3A_158 = tpu.memref_slice %arg17[%dma_wait3A_157] : memref<10112xf32, #tpu.memory_space<vmem_shared>> -> memref<10112xf32, #tpu.memory_space<vmem_shared>>
      tpu.wait_indirect_dma semaphore(%arg23 : memref<!tpu.dma_semaphore, #tpu.memory_space<semaphore_mem>>) src(%arg14 : memref<128xf32, #tpu.memory_space<vmem>>) dst(%dma_wait3A_158 : memref<10112xf32, #tpu.memory_space<vmem_shared>>)
    }
    %scan3A_93 = arith.constant 40 : i32
    %barrier3A_94 = arith.constant 0 : index
    tpu.barrier barrier_id(%barrier3A_94)
    %run_scoped3A_95 = arith.constant 1 : i32
    "tpu.region"() ({
      %run_scoped3A_153 = tpu.sem_alloc : memref<!tpu.dma_semaphore, #tpu.memory_space<semaphore_mem>>
      %dma_start3A_154 = arith.constant 0 : i32
      %dma_start3A_155 = tpu.memref_slice %arg8[%run_scoped3A_95, %arg0, %mul3A_2, %dma_start3A_154] : memref<3x2x10112x128xf32, #tpu.memory_space<hbm>> -> memref<1x1x632x128xf32, #tpu.memory_space<hbm>>
      %dma_start3A_156 = tpu.memref_squeeze %dma_start3A_155 : memref<1x1x632x128xf32, #tpu.memory_space<hbm>> -> memref<632x128xf32, #tpu.memory_space<hbm>>
      %dma_start3A_157 = arith.constant 0 : i32
      %dma_start3A_158 = tpu.memref_slice %arg15[%mul3A_2, %dma_start3A_157] : memref<10112x128xf32, #tpu.memory_space<vmem_shared>> -> memref<632x128xf32, #tpu.memory_space<vmem_shared>>
      tpu.enqueue_dma source(%dma_start3A_158 : memref<632x128xf32, #tpu.memory_space<vmem_shared>>) target(%dma_start3A_156 : memref<632x128xf32, #tpu.memory_space<hbm>>) target_semaphore(%run_scoped3A_153 : memref<!tpu.dma_semaphore, #tpu.memory_space<semaphore_mem>>)
      %dma_wait3A_159 = arith.constant 0 : i32
      %dma_wait3A_160 = tpu.memref_slice %arg8[%run_scoped3A_95, %arg0, %mul3A_2, %dma_wait3A_159] : memref<3x2x10112x128xf32, #tpu.memory_space<hbm>> -> memref<1x1x632x128xf32, #tpu.memory_space<hbm>>
      %dma_wait3A_161 = tpu.memref_squeeze %dma_wait3A_160 : memref<1x1x632x128xf32, #tpu.memory_space<hbm>> -> memref<632x128xf32, #tpu.memory_space<hbm>>
      %dma_wait3A_162 = arith.constant 0 : i32
      %dma_wait3A_163 = tpu.memref_slice %arg15[%mul3A_2, %dma_wait3A_162] : memref<10112x128xf32, #tpu.memory_space<vmem_shared>> -> memref<632x128xf32, #tpu.memory_space<vmem_shared>>
      tpu.wait_dma2 semaphore(%run_scoped3A_153 : memref<!tpu.dma_semaphore, #tpu.memory_space<semaphore_mem>>) src(%dma_wait3A_163 : memref<632x128xf32, #tpu.memory_space<vmem_shared>>) dst(%dma_wait3A_161 : memref<632x128xf32, #tpu.memory_space<hbm>>)
      tpu.yield
    }) : () -> ()
    %eq3A_96 = arith.constant 0 : i32
    %eq3A_97 = arith.cmpi eq, %arg1, %eq3A_96 : i32
    %convert_element_type3A_98 = arith.extui %eq3A_97 : i1 to i32
    %cond3A_99 = arith.constant 0 : i32
    %cond3A_100 = arith.cmpi ne, %convert_element_type3A_98, %cond3A_99 : i32
    scf.if %cond3A_100 {
      %add3A_153 = arith.constant 2 : i32
      %add3A_154 = arith.addi %add3A_153, %arg0 : i32
      %mul3A_155 = arith.constant 10112 : i32
      %mul3A_156 = arith.muli %add3A_154, %mul3A_155 : i32
      "tpu.region"() ({
        %run_scoped3A_157 = tpu.sem_alloc : memref<!tpu.dma_semaphore, #tpu.memory_space<semaphore_mem>>
        %dma_start3A_158 = tpu.memref_slice %arg9[%mul3A_156] : memref<60672xf32, #tpu.memory_space<hbm>> -> memref<10112xf32, #tpu.memory_space<hbm>>
        tpu.enqueue_dma source(%arg17 : memref<10112xf32, #tpu.memory_space<vmem_shared>>) target(%dma_start3A_158 : memref<10112xf32, #tpu.memory_space<hbm>>) target_semaphore(%run_scoped3A_157 : memref<!tpu.dma_semaphore, #tpu.memory_space<semaphore_mem>>)
        %dma_wait3A_159 = tpu.memref_slice %arg9[%mul3A_156] : memref<60672xf32, #tpu.memory_space<hbm>> -> memref<10112xf32, #tpu.memory_space<hbm>>
        tpu.wait_dma2 semaphore(%run_scoped3A_157 : memref<!tpu.dma_semaphore, #tpu.memory_space<semaphore_mem>>) src(%arg17 : memref<10112xf32, #tpu.memory_space<vmem_shared>>) dst(%dma_wait3A_159 : memref<10112xf32, #tpu.memory_space<hbm>>)
        tpu.yield
      }) : () -> ()
    } else {
    }
    %barrier3A_101 = arith.constant 0 : index
    tpu.barrier barrier_id(%barrier3A_101)
    "tpu.region"() ({
      %run_scoped3A_153 = tpu.sem_alloc : memref<!tpu.dma_semaphore, #tpu.memory_space<semaphore_mem>>
      %dma_start3A_154 = arith.constant 0 : i32
      %dma_start3A_155 = tpu.memref_slice %arg15[%mul3A_2, %dma_start3A_154] : memref<10112x128xf32, #tpu.memory_space<vmem_shared>> -> memref<632x128xf32, #tpu.memory_space<vmem_shared>>
      tpu.enqueue_dma source(%arg5 : memref<632x128xf32, #tpu.memory_space<hbm>>) target(%dma_start3A_155 : memref<632x128xf32, #tpu.memory_space<vmem_shared>>) target_semaphore(%run_scoped3A_153 : memref<!tpu.dma_semaphore, #tpu.memory_space<semaphore_mem>>)
      %dma_wait3A_156 = arith.constant 0 : i32
      %dma_wait3A_157 = tpu.memref_slice %arg15[%mul3A_2, %dma_wait3A_156] : memref<10112x128xf32, #tpu.memory_space<vmem_shared>> -> memref<632x128xf32, #tpu.memory_space<vmem_shared>>
      tpu.wait_dma2 semaphore(%run_scoped3A_153 : memref<!tpu.dma_semaphore, #tpu.memory_space<semaphore_mem>>) src(%arg5 : memref<632x128xf32, #tpu.memory_space<hbm>>) dst(%dma_wait3A_157 : memref<632x128xf32, #tpu.memory_space<vmem_shared>>)
      tpu.yield
    }) : () -> ()
    %run_scoped3A_102 = arith.constant 2 : i32
    "tpu.region"() ({
      %run_scoped3A_153 = tpu.sem_alloc : memref<!tpu.dma_semaphore, #tpu.memory_space<semaphore_mem>>
      %dma_start3A_154 = arith.constant 0 : i32
      %dma_start3A_155 = arith.constant 0 : i32
      %dma_start3A_156 = tpu.memref_slice %arg3[%run_scoped3A_102, %add3A, %dma_start3A_154, %dma_start3A_155] : memref<3x32x40x128xi32, #tpu.memory_space<hbm>> -> memref<1x1x40x128xi32, #tpu.memory_space<hbm>>
      %dma_start3A_157 = tpu.memref_squeeze %dma_start3A_156 : memref<1x1x40x128xi32, #tpu.memory_space<hbm>> -> memref<40x128xi32, #tpu.memory_space<hbm>>
      %dma_start3A_158 = arith.constant 0 : i32
      %dma_start3A_159 = arith.constant 0 : i32
      %dma_start3A_160 = tpu.memref_slice %arg3[%run_scoped3A_102, %add3A, %dma_start3A_158, %dma_start3A_159] : memref<3x32x40x128xi32, #tpu.memory_space<hbm>> -> memref<1x1x40x128xi32, #tpu.memory_space<hbm>>
      %dma_start3A_161 = tpu.memref_squeeze %dma_start3A_160 : memref<1x1x40x128xi32, #tpu.memory_space<hbm>> -> memref<40x128xi32, #tpu.memory_space<hbm>>
      tpu.enqueue_dma source(%dma_start3A_161 : memref<40x128xi32, #tpu.memory_space<hbm>>) target(%arg10 : memref<40x128xi32, #tpu.memory_space<vmem>>) target_semaphore(%run_scoped3A_153 : memref<!tpu.dma_semaphore, #tpu.memory_space<semaphore_mem>>)
      %dma_wait3A_162 = arith.constant 0 : i32
      %dma_wait3A_163 = arith.constant 0 : i32
      %dma_wait3A_164 = tpu.memref_slice %arg3[%run_scoped3A_102, %add3A, %dma_wait3A_162, %dma_wait3A_163] : memref<3x32x40x128xi32, #tpu.memory_space<hbm>> -> memref<1x1x40x128xi32, #tpu.memory_space<hbm>>
      %dma_wait3A_165 = tpu.memref_squeeze %dma_wait3A_164 : memref<1x1x40x128xi32, #tpu.memory_space<hbm>> -> memref<40x128xi32, #tpu.memory_space<hbm>>
      %dma_wait3A_166 = arith.constant 0 : i32
      %dma_wait3A_167 = arith.constant 0 : i32
      %dma_wait3A_168 = tpu.memref_slice %arg3[%run_scoped3A_102, %add3A, %dma_wait3A_166, %dma_wait3A_167] : memref<3x32x40x128xi32, #tpu.memory_space<hbm>> -> memref<1x1x40x128xi32, #tpu.memory_space<hbm>>
      %dma_wait3A_169 = tpu.memref_squeeze %dma_wait3A_168 : memref<1x1x40x128xi32, #tpu.memory_space<hbm>> -> memref<40x128xi32, #tpu.memory_space<hbm>>
      tpu.wait_dma2 semaphore(%run_scoped3A_153 : memref<!tpu.dma_semaphore, #tpu.memory_space<semaphore_mem>>) src(%dma_wait3A_169 : memref<40x128xi32, #tpu.memory_space<hbm>>) dst(%arg10 : memref<40x128xi32, #tpu.memory_space<vmem>>)
      tpu.yield
    }) : () -> ()
    %run_scoped3A_103 = arith.constant 2 : i32
    "tpu.region"() ({
      %run_scoped3A_153 = tpu.sem_alloc : memref<!tpu.dma_semaphore, #tpu.memory_space<semaphore_mem>>
      %dma_start3A_154 = arith.constant 0 : i32
      %dma_start3A_155 = arith.constant 0 : i32
      %dma_start3A_156 = tpu.memref_slice %arg4[%run_scoped3A_103, %add3A, %dma_start3A_154, %dma_start3A_155] : memref<3x32x40x128xi32, #tpu.memory_space<hbm>> -> memref<1x1x40x128xi32, #tpu.memory_space<hbm>>
      %dma_start3A_157 = tpu.memref_squeeze %dma_start3A_156 : memref<1x1x40x128xi32, #tpu.memory_space<hbm>> -> memref<40x128xi32, #tpu.memory_space<hbm>>
      %dma_start3A_158 = arith.constant 0 : i32
      %dma_start3A_159 = arith.constant 0 : i32
      %dma_start3A_160 = tpu.memref_slice %arg4[%run_scoped3A_103, %add3A, %dma_start3A_158, %dma_start3A_159] : memref<3x32x40x128xi32, #tpu.memory_space<hbm>> -> memref<1x1x40x128xi32, #tpu.memory_space<hbm>>
      %dma_start3A_161 = tpu.memref_squeeze %dma_start3A_160 : memref<1x1x40x128xi32, #tpu.memory_space<hbm>> -> memref<40x128xi32, #tpu.memory_space<hbm>>
      tpu.enqueue_dma source(%dma_start3A_161 : memref<40x128xi32, #tpu.memory_space<hbm>>) target(%arg11 : memref<40x128xi32, #tpu.memory_space<vmem>>) target_semaphore(%run_scoped3A_153 : memref<!tpu.dma_semaphore, #tpu.memory_space<semaphore_mem>>)
      %dma_wait3A_162 = arith.constant 0 : i32
      %dma_wait3A_163 = arith.constant 0 : i32
      %dma_wait3A_164 = tpu.memref_slice %arg4[%run_scoped3A_103, %add3A, %dma_wait3A_162, %dma_wait3A_163] : memref<3x32x40x128xi32, #tpu.memory_space<hbm>> -> memref<1x1x40x128xi32, #tpu.memory_space<hbm>>
      %dma_wait3A_165 = tpu.memref_squeeze %dma_wait3A_164 : memref<1x1x40x128xi32, #tpu.memory_space<hbm>> -> memref<40x128xi32, #tpu.memory_space<hbm>>
      %dma_wait3A_166 = arith.constant 0 : i32
      %dma_wait3A_167 = arith.constant 0 : i32
      %dma_wait3A_168 = tpu.memref_slice %arg4[%run_scoped3A_103, %add3A, %dma_wait3A_166, %dma_wait3A_167] : memref<3x32x40x128xi32, #tpu.memory_space<hbm>> -> memref<1x1x40x128xi32, #tpu.memory_space<hbm>>
      %dma_wait3A_169 = tpu.memref_squeeze %dma_wait3A_168 : memref<1x1x40x128xi32, #tpu.memory_space<hbm>> -> memref<40x128xi32, #tpu.memory_space<hbm>>
      tpu.wait_dma2 semaphore(%run_scoped3A_153 : memref<!tpu.dma_semaphore, #tpu.memory_space<semaphore_mem>>) src(%dma_wait3A_169 : memref<40x128xi32, #tpu.memory_space<hbm>>) dst(%arg11 : memref<40x128xi32, #tpu.memory_space<vmem>>)
      tpu.yield
    }) : () -> ()
    %barrier3A_104 = arith.constant 0 : index
    tpu.barrier barrier_id(%barrier3A_104)
    %dma_start3A_105 = arith.constant 0 : i32
    %dma_start3A_106 = arith.constant 0 : i32
    %dma_start3A_107 = tpu.memref_slice %arg10[%dma_start3A_105, %dma_start3A_106] : memref<40x128xi32, #tpu.memory_space<vmem>> -> memref<1x128xi32, #tpu.memory_space<vmem>>
    %dma_start3A_108 = tpu.memref_squeeze %dma_start3A_107 : memref<1x128xi32, #tpu.memory_space<vmem>> -> memref<128xi32, #tpu.memory_space<vmem>>
    %dma_start3A_109 = arith.constant 0 : i32
    %dma_start3A_110 = arith.constant 0 : i32
    %dma_start3A_111 = tpu.memref_slice %arg2[%dma_start3A_109, %dma_start3A_110] : memref<10000x128xf32, #tpu.memory_space<hbm>> -> memref<10000x128xf32, #tpu.memory_space<hbm>>
    tpu.enqueue_indirect_dma source(%dma_start3A_111 : memref<10000x128xf32, #tpu.memory_space<hbm>>) target(%arg12 : memref<128x128xf32, #tpu.memory_space<vmem>>) offsets(%dma_start3A_108 : memref<128xi32, #tpu.memory_space<vmem>>) semaphore(%arg19 : memref<!tpu.dma_semaphore, #tpu.memory_space<semaphore_mem>>)
    %dma_start3A_112 = arith.constant 1 : i32
    %dma_start3A_113 = arith.constant 0 : i32
    %dma_start3A_114 = tpu.memref_slice %arg10[%dma_start3A_112, %dma_start3A_113] : memref<40x128xi32, #tpu.memory_space<vmem>> -> memref<1x128xi32, #tpu.memory_space<vmem>>
    %dma_start3A_115 = tpu.memref_squeeze %dma_start3A_114 : memref<1x128xi32, #tpu.memory_space<vmem>> -> memref<128xi32, #tpu.memory_space<vmem>>
    %dma_start3A_116 = arith.constant 0 : i32
    %dma_start3A_117 = arith.constant 0 : i32
    %dma_start3A_118 = tpu.memref_slice %arg2[%dma_start3A_116, %dma_start3A_117] : memref<10000x128xf32, #tpu.memory_space<hbm>> -> memref<10000x128xf32, #tpu.memory_space<hbm>>
    tpu.enqueue_indirect_dma source(%dma_start3A_118 : memref<10000x128xf32, #tpu.memory_space<hbm>>) target(%arg13 : memref<128x128xf32, #tpu.memory_space<vmem>>) offsets(%dma_start3A_115 : memref<128xi32, #tpu.memory_space<vmem>>) semaphore(%arg20 : memref<!tpu.dma_semaphore, #tpu.memory_space<semaphore_mem>>)
    %scan3A_119 = arith.constant 0 : i32
    %scan3A_120 = arith.constant 0 : i32
    %scan3A_121 = arith.constant 20 : i32
    %scan3A_122 = arith.addi %scan3A_120, %scan3A_121 : i32
    %scan3A_123 = arith.constant 1 : i32
    scf.for %scan3A_153 = %scan3A_120 to %scan3A_122 step %scan3A_123  : i32 {
      %mul3A_154 = arith.constant 2 : i32
      %mul3A_155 = arith.muli %mul3A_154, %scan3A_153 : i32
      %dma_wait3A_156 = arith.constant 0 : i32
      %dma_wait3A_157 = tpu.memref_slice %arg10[%mul3A_155, %dma_wait3A_156] : memref<40x128xi32, #tpu.memory_space<vmem>> -> memref<1x128xi32, #tpu.memory_space<vmem>>
      %dma_wait3A_158 = tpu.memref_squeeze %dma_wait3A_157 : memref<1x128xi32, #tpu.memory_space<vmem>> -> memref<128xi32, #tpu.memory_space<vmem>>
      %dma_wait3A_159 = arith.constant 0 : i32
      %dma_wait3A_160 = arith.constant 0 : i32
      %dma_wait3A_161 = tpu.memref_slice %arg2[%dma_wait3A_159, %dma_wait3A_160] : memref<10000x128xf32, #tpu.memory_space<hbm>> -> memref<10000x128xf32, #tpu.memory_space<hbm>>
      tpu.wait_indirect_dma semaphore(%arg19 : memref<!tpu.dma_semaphore, #tpu.memory_space<semaphore_mem>>) src(%dma_wait3A_161 : memref<10000x128xf32, #tpu.memory_space<hbm>>) dst(%arg12 : memref<128x128xf32, #tpu.memory_space<vmem>>)
      %dma_start3A_162 = arith.constant 0 : i32
      %dma_start3A_163 = tpu.memref_slice %arg11[%mul3A_155, %dma_start3A_162] : memref<40x128xi32, #tpu.memory_space<vmem>> -> memref<1x128xi32, #tpu.memory_space<vmem>>
      %dma_start3A_164 = tpu.memref_squeeze %dma_start3A_163 : memref<1x128xi32, #tpu.memory_space<vmem>> -> memref<128xi32, #tpu.memory_space<vmem>>
      %dma_start3A_165 = arith.constant 0 : i32
      %dma_start3A_166 = arith.constant 0 : i32
      %dma_start3A_167 = tpu.memref_slice %arg15[%dma_start3A_165, %dma_start3A_166] : memref<10112x128xf32, #tpu.memory_space<vmem_shared>> -> memref<10112x128xf32, #tpu.memory_space<vmem_shared>>
      tpu.enqueue_indirect_dma source(%arg12 : memref<128x128xf32, #tpu.memory_space<vmem>>) target(%dma_start3A_167 : memref<10112x128xf32, #tpu.memory_space<vmem_shared>>) offsets(%dma_start3A_164 : memref<128xi32, #tpu.memory_space<vmem>>) semaphore(%arg21 : memref<!tpu.dma_semaphore, #tpu.memory_space<semaphore_mem>>) {add = true}
      %dma_start3A_168 = arith.constant 0 : i32
      %dma_start3A_169 = tpu.memref_slice %arg11[%mul3A_155, %dma_start3A_168] : memref<40x128xi32, #tpu.memory_space<vmem>> -> memref<1x128xi32, #tpu.memory_space<vmem>>
      %dma_start3A_170 = tpu.memref_squeeze %dma_start3A_169 : memref<1x128xi32, #tpu.memory_space<vmem>> -> memref<128xi32, #tpu.memory_space<vmem>>
      %dma_start3A_171 = arith.constant 0 : i32
      %dma_start3A_172 = tpu.memref_slice %arg18[%dma_start3A_171] : memref<10112xf32, #tpu.memory_space<vmem_shared>> -> memref<10112xf32, #tpu.memory_space<vmem_shared>>
      tpu.enqueue_indirect_dma source(%arg14 : memref<128xf32, #tpu.memory_space<vmem>>) target(%dma_start3A_172 : memref<10112xf32, #tpu.memory_space<vmem_shared>>) offsets(%dma_start3A_170 : memref<128xi32, #tpu.memory_space<vmem>>) semaphore(%arg23 : memref<!tpu.dma_semaphore, #tpu.memory_space<semaphore_mem>>) {add = true}
      %add3A_173 = arith.constant 1 : i32
      %add3A_174 = arith.addi %mul3A_155, %add3A_173 : i32
      %dma_wait3A_175 = arith.constant 0 : i32
      %dma_wait3A_176 = tpu.memref_slice %arg10[%add3A_174, %dma_wait3A_175] : memref<40x128xi32, #tpu.memory_space<vmem>> -> memref<1x128xi32, #tpu.memory_space<vmem>>
      %dma_wait3A_177 = tpu.memref_squeeze %dma_wait3A_176 : memref<1x128xi32, #tpu.memory_space<vmem>> -> memref<128xi32, #tpu.memory_space<vmem>>
      %dma_wait3A_178 = arith.constant 0 : i32
      %dma_wait3A_179 = arith.constant 0 : i32
      %dma_wait3A_180 = tpu.memref_slice %arg2[%dma_wait3A_178, %dma_wait3A_179] : memref<10000x128xf32, #tpu.memory_space<hbm>> -> memref<10000x128xf32, #tpu.memory_space<hbm>>
      tpu.wait_indirect_dma semaphore(%arg20 : memref<!tpu.dma_semaphore, #tpu.memory_space<semaphore_mem>>) src(%dma_wait3A_180 : memref<10000x128xf32, #tpu.memory_space<hbm>>) dst(%arg13 : memref<128x128xf32, #tpu.memory_space<vmem>>)
      %add3A_181 = arith.constant 1 : i32
      %add3A_182 = arith.addi %mul3A_155, %add3A_181 : i32
      %dma_start3A_183 = arith.constant 0 : i32
      %dma_start3A_184 = tpu.memref_slice %arg11[%add3A_182, %dma_start3A_183] : memref<40x128xi32, #tpu.memory_space<vmem>> -> memref<1x128xi32, #tpu.memory_space<vmem>>
      %dma_start3A_185 = tpu.memref_squeeze %dma_start3A_184 : memref<1x128xi32, #tpu.memory_space<vmem>> -> memref<128xi32, #tpu.memory_space<vmem>>
      %dma_start3A_186 = arith.constant 0 : i32
      %dma_start3A_187 = arith.constant 0 : i32
      %dma_start3A_188 = tpu.memref_slice %arg15[%dma_start3A_186, %dma_start3A_187] : memref<10112x128xf32, #tpu.memory_space<vmem_shared>> -> memref<10112x128xf32, #tpu.memory_space<vmem_shared>>
      tpu.enqueue_indirect_dma source(%arg13 : memref<128x128xf32, #tpu.memory_space<vmem>>) target(%dma_start3A_188 : memref<10112x128xf32, #tpu.memory_space<vmem_shared>>) offsets(%dma_start3A_185 : memref<128xi32, #tpu.memory_space<vmem>>) semaphore(%arg22 : memref<!tpu.dma_semaphore, #tpu.memory_space<semaphore_mem>>) {add = true}
      %add3A_189 = arith.constant 1 : i32
      %add3A_190 = arith.addi %mul3A_155, %add3A_189 : i32
      %dma_start3A_191 = arith.constant 0 : i32
      %dma_start3A_192 = tpu.memref_slice %arg11[%add3A_190, %dma_start3A_191] : memref<40x128xi32, #tpu.memory_space<vmem>> -> memref<1x128xi32, #tpu.memory_space<vmem>>
      %dma_start3A_193 = tpu.memref_squeeze %dma_start3A_192 : memref<1x128xi32, #tpu.memory_space<vmem>> -> memref<128xi32, #tpu.memory_space<vmem>>
      %dma_start3A_194 = arith.constant 0 : i32
      %dma_start3A_195 = tpu.memref_slice %arg18[%dma_start3A_194] : memref<10112xf32, #tpu.memory_space<vmem_shared>> -> memref<10112xf32, #tpu.memory_space<vmem_shared>>
      tpu.enqueue_indirect_dma source(%arg14 : memref<128xf32, #tpu.memory_space<vmem>>) target(%dma_start3A_195 : memref<10112xf32, #tpu.memory_space<vmem_shared>>) offsets(%dma_start3A_193 : memref<128xi32, #tpu.memory_space<vmem>>) semaphore(%arg23 : memref<!tpu.dma_semaphore, #tpu.memory_space<semaphore_mem>>) {add = true}
      %dma_wait3A_196 = arith.constant 0 : i32
      %dma_wait3A_197 = tpu.memref_slice %arg11[%mul3A_155, %dma_wait3A_196] : memref<40x128xi32, #tpu.memory_space<vmem>> -> memref<1x128xi32, #tpu.memory_space<vmem>>
      %dma_wait3A_198 = tpu.memref_squeeze %dma_wait3A_197 : memref<1x128xi32, #tpu.memory_space<vmem>> -> memref<128xi32, #tpu.memory_space<vmem>>
      %dma_wait3A_199 = arith.constant 0 : i32
      %dma_wait3A_200 = arith.constant 0 : i32
      %dma_wait3A_201 = tpu.memref_slice %arg15[%dma_wait3A_199, %dma_wait3A_200] : memref<10112x128xf32, #tpu.memory_space<vmem_shared>> -> memref<10112x128xf32, #tpu.memory_space<vmem_shared>>
      tpu.wait_indirect_dma semaphore(%arg21 : memref<!tpu.dma_semaphore, #tpu.memory_space<semaphore_mem>>) src(%arg12 : memref<128x128xf32, #tpu.memory_space<vmem>>) dst(%dma_wait3A_201 : memref<10112x128xf32, #tpu.memory_space<vmem_shared>>)
      %add3A_202 = arith.constant 2 : i32
      %add3A_203 = arith.addi %mul3A_155, %add3A_202 : i32
      %min3A = arith.constant 39 : i32
      %min3A_204 = arith.minsi %add3A_203, %min3A : i32
      %dma_start3A_205 = arith.constant 0 : i32
      %dma_start3A_206 = tpu.memref_slice %arg10[%min3A_204, %dma_start3A_205] : memref<40x128xi32, #tpu.memory_space<vmem>> -> memref<1x128xi32, #tpu.memory_space<vmem>>
      %dma_start3A_207 = tpu.memref_squeeze %dma_start3A_206 : memref<1x128xi32, #tpu.memory_space<vmem>> -> memref<128xi32, #tpu.memory_space<vmem>>
      %dma_start3A_208 = arith.constant 0 : i32
      %dma_start3A_209 = arith.constant 0 : i32
      %dma_start3A_210 = tpu.memref_slice %arg2[%dma_start3A_208, %dma_start3A_209] : memref<10000x128xf32, #tpu.memory_space<hbm>> -> memref<10000x128xf32, #tpu.memory_space<hbm>>
      tpu.enqueue_indirect_dma source(%dma_start3A_210 : memref<10000x128xf32, #tpu.memory_space<hbm>>) target(%arg12 : memref<128x128xf32, #tpu.memory_space<vmem>>) offsets(%dma_start3A_207 : memref<128xi32, #tpu.memory_space<vmem>>) semaphore(%arg19 : memref<!tpu.dma_semaphore, #tpu.memory_space<semaphore_mem>>)
      %add3A_211 = arith.constant 1 : i32
      %add3A_212 = arith.addi %mul3A_155, %add3A_211 : i32
      %dma_wait3A_213 = arith.constant 0 : i32
      %dma_wait3A_214 = tpu.memref_slice %arg11[%add3A_212, %dma_wait3A_213] : memref<40x128xi32, #tpu.memory_space<vmem>> -> memref<1x128xi32, #tpu.memory_space<vmem>>
      %dma_wait3A_215 = tpu.memref_squeeze %dma_wait3A_214 : memref<1x128xi32, #tpu.memory_space<vmem>> -> memref<128xi32, #tpu.memory_space<vmem>>
      %dma_wait3A_216 = arith.constant 0 : i32
      %dma_wait3A_217 = arith.constant 0 : i32
      %dma_wait3A_218 = tpu.memref_slice %arg15[%dma_wait3A_216, %dma_wait3A_217] : memref<10112x128xf32, #tpu.memory_space<vmem_shared>> -> memref<10112x128xf32, #tpu.memory_space<vmem_shared>>
      tpu.wait_indirect_dma semaphore(%arg22 : memref<!tpu.dma_semaphore, #tpu.memory_space<semaphore_mem>>) src(%arg13 : memref<128x128xf32, #tpu.memory_space<vmem>>) dst(%dma_wait3A_218 : memref<10112x128xf32, #tpu.memory_space<vmem_shared>>)
      %add3A_219 = arith.constant 3 : i32
      %add3A_220 = arith.addi %mul3A_155, %add3A_219 : i32
      %min3A_221 = arith.constant 39 : i32
      %min3A_222 = arith.minsi %add3A_220, %min3A_221 : i32
      %dma_start3A_223 = arith.constant 0 : i32
      %dma_start3A_224 = tpu.memref_slice %arg10[%min3A_222, %dma_start3A_223] : memref<40x128xi32, #tpu.memory_space<vmem>> -> memref<1x128xi32, #tpu.memory_space<vmem>>
      %dma_start3A_225 = tpu.memref_squeeze %dma_start3A_224 : memref<1x128xi32, #tpu.memory_space<vmem>> -> memref<128xi32, #tpu.memory_space<vmem>>
      %dma_start3A_226 = arith.constant 0 : i32
      %dma_start3A_227 = arith.constant 0 : i32
      %dma_start3A_228 = tpu.memref_slice %arg2[%dma_start3A_226, %dma_start3A_227] : memref<10000x128xf32, #tpu.memory_space<hbm>> -> memref<10000x128xf32, #tpu.memory_space<hbm>>
      tpu.enqueue_indirect_dma source(%dma_start3A_228 : memref<10000x128xf32, #tpu.memory_space<hbm>>) target(%arg13 : memref<128x128xf32, #tpu.memory_space<vmem>>) offsets(%dma_start3A_225 : memref<128xi32, #tpu.memory_space<vmem>>) semaphore(%arg20 : memref<!tpu.dma_semaphore, #tpu.memory_space<semaphore_mem>>)
    }
    %scan3A_124 = arith.constant 20 : i32
    %dma_wait3A_125 = arith.constant 39 : i32
    %dma_wait3A_126 = arith.constant 0 : i32
    %dma_wait3A_127 = tpu.memref_slice %arg10[%dma_wait3A_125, %dma_wait3A_126] : memref<40x128xi32, #tpu.memory_space<vmem>> -> memref<1x128xi32, #tpu.memory_space<vmem>>
    %dma_wait3A_128 = tpu.memref_squeeze %dma_wait3A_127 : memref<1x128xi32, #tpu.memory_space<vmem>> -> memref<128xi32, #tpu.memory_space<vmem>>
    %dma_wait3A_129 = arith.constant 0 : i32
    %dma_wait3A_130 = arith.constant 0 : i32
    %dma_wait3A_131 = tpu.memref_slice %arg2[%dma_wait3A_129, %dma_wait3A_130] : memref<10000x128xf32, #tpu.memory_space<hbm>> -> memref<10000x128xf32, #tpu.memory_space<hbm>>
    tpu.wait_indirect_dma semaphore(%arg19 : memref<!tpu.dma_semaphore, #tpu.memory_space<semaphore_mem>>) src(%dma_wait3A_131 : memref<10000x128xf32, #tpu.memory_space<hbm>>) dst(%arg12 : memref<128x128xf32, #tpu.memory_space<vmem>>)
    %dma_wait3A_132 = arith.constant 39 : i32
    %dma_wait3A_133 = arith.constant 0 : i32
    %dma_wait3A_134 = tpu.memref_slice %arg10[%dma_wait3A_132, %dma_wait3A_133] : memref<40x128xi32, #tpu.memory_space<vmem>> -> memref<1x128xi32, #tpu.memory_space<vmem>>
    %dma_wait3A_135 = tpu.memref_squeeze %dma_wait3A_134 : memref<1x128xi32, #tpu.memory_space<vmem>> -> memref<128xi32, #tpu.memory_space<vmem>>
    %dma_wait3A_136 = arith.constant 0 : i32
    %dma_wait3A_137 = arith.constant 0 : i32
    %dma_wait3A_138 = tpu.memref_slice %arg2[%dma_wait3A_136, %dma_wait3A_137] : memref<10000x128xf32, #tpu.memory_space<hbm>> -> memref<10000x128xf32, #tpu.memory_space<hbm>>
    tpu.wait_indirect_dma semaphore(%arg20 : memref<!tpu.dma_semaphore, #tpu.memory_space<semaphore_mem>>) src(%dma_wait3A_138 : memref<10000x128xf32, #tpu.memory_space<hbm>>) dst(%arg13 : memref<128x128xf32, #tpu.memory_space<vmem>>)
    %scan3A_139 = arith.constant 0 : i32
    %scan3A_140 = arith.constant 0 : i32
    %scan3A_141 = arith.constant 40 : i32
    %scan3A_142 = arith.addi %scan3A_140, %scan3A_141 : i32
    %scan3A_143 = arith.constant 1 : i32
    scf.for %scan3A_153 = %scan3A_140 to %scan3A_142 step %scan3A_143  : i32 {
      %dma_wait3A_154 = arith.constant 0 : i32
      %dma_wait3A_155 = tpu.memref_slice %arg11[%scan3A_153, %dma_wait3A_154] : memref<40x128xi32, #tpu.memory_space<vmem>> -> memref<1x128xi32, #tpu.memory_space<vmem>>
      %dma_wait3A_156 = tpu.memref_squeeze %dma_wait3A_155 : memref<1x128xi32, #tpu.memory_space<vmem>> -> memref<128xi32, #tpu.memory_space<vmem>>
      %dma_wait3A_157 = arith.constant 0 : i32
      %dma_wait3A_158 = tpu.memref_slice %arg18[%dma_wait3A_157] : memref<10112xf32, #tpu.memory_space<vmem_shared>> -> memref<10112xf32, #tpu.memory_space<vmem_shared>>
      tpu.wait_indirect_dma semaphore(%arg23 : memref<!tpu.dma_semaphore, #tpu.memory_space<semaphore_mem>>) src(%arg14 : memref<128xf32, #tpu.memory_space<vmem>>) dst(%dma_wait3A_158 : memref<10112xf32, #tpu.memory_space<vmem_shared>>)
    }
    %scan3A_144 = arith.constant 40 : i32
    %barrier3A_145 = arith.constant 0 : index
    tpu.barrier barrier_id(%barrier3A_145)
    %run_scoped3A_146 = arith.constant 2 : i32
    "tpu.region"() ({
      %run_scoped3A_153 = tpu.sem_alloc : memref<!tpu.dma_semaphore, #tpu.memory_space<semaphore_mem>>
      %dma_start3A_154 = arith.constant 0 : i32
      %dma_start3A_155 = tpu.memref_slice %arg8[%run_scoped3A_146, %arg0, %mul3A_2, %dma_start3A_154] : memref<3x2x10112x128xf32, #tpu.memory_space<hbm>> -> memref<1x1x632x128xf32, #tpu.memory_space<hbm>>
      %dma_start3A_156 = tpu.memref_squeeze %dma_start3A_155 : memref<1x1x632x128xf32, #tpu.memory_space<hbm>> -> memref<632x128xf32, #tpu.memory_space<hbm>>
      %dma_start3A_157 = arith.constant 0 : i32
      %dma_start3A_158 = tpu.memref_slice %arg15[%mul3A_2, %dma_start3A_157] : memref<10112x128xf32, #tpu.memory_space<vmem_shared>> -> memref<632x128xf32, #tpu.memory_space<vmem_shared>>
      tpu.enqueue_dma source(%dma_start3A_158 : memref<632x128xf32, #tpu.memory_space<vmem_shared>>) target(%dma_start3A_156 : memref<632x128xf32, #tpu.memory_space<hbm>>) target_semaphore(%run_scoped3A_153 : memref<!tpu.dma_semaphore, #tpu.memory_space<semaphore_mem>>)
      %dma_wait3A_159 = arith.constant 0 : i32
      %dma_wait3A_160 = tpu.memref_slice %arg8[%run_scoped3A_146, %arg0, %mul3A_2, %dma_wait3A_159] : memref<3x2x10112x128xf32, #tpu.memory_space<hbm>> -> memref<1x1x632x128xf32, #tpu.memory_space<hbm>>
      %dma_wait3A_161 = tpu.memref_squeeze %dma_wait3A_160 : memref<1x1x632x128xf32, #tpu.memory_space<hbm>> -> memref<632x128xf32, #tpu.memory_space<hbm>>
      %dma_wait3A_162 = arith.constant 0 : i32
      %dma_wait3A_163 = tpu.memref_slice %arg15[%mul3A_2, %dma_wait3A_162] : memref<10112x128xf32, #tpu.memory_space<vmem_shared>> -> memref<632x128xf32, #tpu.memory_space<vmem_shared>>
      tpu.wait_dma2 semaphore(%run_scoped3A_153 : memref<!tpu.dma_semaphore, #tpu.memory_space<semaphore_mem>>) src(%dma_wait3A_163 : memref<632x128xf32, #tpu.memory_space<vmem_shared>>) dst(%dma_wait3A_161 : memref<632x128xf32, #tpu.memory_space<hbm>>)
      tpu.yield
    }) : () -> ()
    %eq3A_147 = arith.constant 0 : i32
    %eq3A_148 = arith.cmpi eq, %arg1, %eq3A_147 : i32
    %convert_element_type3A_149 = arith.extui %eq3A_148 : i1 to i32
    %cond3A_150 = arith.constant 0 : i32
    %cond3A_151 = arith.cmpi ne, %convert_element_type3A_149, %cond3A_150 : i32
    scf.if %cond3A_151 {
      %add3A_153 = arith.constant 4 : i32
      %add3A_154 = arith.addi %add3A_153, %arg0 : i32
      %mul3A_155 = arith.constant 10112 : i32
      %mul3A_156 = arith.muli %add3A_154, %mul3A_155 : i32
      "tpu.region"() ({
        %run_scoped3A_157 = tpu.sem_alloc : memref<!tpu.dma_semaphore, #tpu.memory_space<semaphore_mem>>
        %dma_start3A_158 = tpu.memref_slice %arg9[%mul3A_156] : memref<60672xf32, #tpu.memory_space<hbm>> -> memref<10112xf32, #tpu.memory_space<hbm>>
        tpu.enqueue_dma source(%arg18 : memref<10112xf32, #tpu.memory_space<vmem_shared>>) target(%dma_start3A_158 : memref<10112xf32, #tpu.memory_space<hbm>>) target_semaphore(%run_scoped3A_157 : memref<!tpu.dma_semaphore, #tpu.memory_space<semaphore_mem>>)
        %dma_wait3A_159 = tpu.memref_slice %arg9[%mul3A_156] : memref<60672xf32, #tpu.memory_space<hbm>> -> memref<10112xf32, #tpu.memory_space<hbm>>
        tpu.wait_dma2 semaphore(%run_scoped3A_157 : memref<!tpu.dma_semaphore, #tpu.memory_space<semaphore_mem>>) src(%arg18 : memref<10112xf32, #tpu.memory_space<vmem_shared>>) dst(%dma_wait3A_159 : memref<10112xf32, #tpu.memory_space<hbm>>)
        tpu.yield
      }) : () -> ()
    } else {
    }
    %barrier3A_152 = arith.constant 0 : index
    tpu.barrier barrier_id(%barrier3A_152)
    return
  }
}

module attributes {stable_mosaic.version = 14 : i64} {
  func.func @_tc_body(%arg0: i32, %arg1: memref<3x2x1000x128xf32, #tpu.memory_space<vmem>>, %arg2: memref<3x2x1000x1xf32, #tpu.memory_space<vmem>>, %arg3: memref<3x128x128xf32, #tpu.memory_space<vmem>>, %arg4: memref<3x128xf32, #tpu.memory_space<vmem>>, %arg5: memref<3x128x64xf32, #tpu.memory_space<vmem>>, %arg6: memref<3x64xf32, #tpu.memory_space<vmem>>, %arg7: memref<3x64xf32, #tpu.memory_space<vmem>>, %arg8: memref<1000x128xf32, #tpu.memory_space<vmem>>, %arg9: memref<3x1000x1xf32, #tpu.memory_space<vmem>>) attributes {dimension_semantics = [#tpu.dimension_semantics<arbitrary>], iteration_bounds = array<i64: 10>, scalar_prefetch = 0 : i64, scratch_operands = 0 : i64, tpu.core_type = #tpu.core_type<tc>, window_params = [{transform_indices = @transform_0, window_bounds = array<i64: 3, 2, 1000, 128>}, {transform_indices = @transform_1, window_bounds = array<i64: 3, 2, 1000, 1>}, {pipeline_mode = #tpu.pipeline_mode<synchronous>, transform_indices = @transform_2, window_bounds = array<i64: 3, 128, 128>}, {pipeline_mode = #tpu.pipeline_mode<synchronous>, transform_indices = @transform_3, window_bounds = array<i64: 3, 128>}, {pipeline_mode = #tpu.pipeline_mode<synchronous>, transform_indices = @transform_4, window_bounds = array<i64: 3, 128, 64>}, {pipeline_mode = #tpu.pipeline_mode<synchronous>, transform_indices = @transform_5, window_bounds = array<i64: 3, 64>}, {pipeline_mode = #tpu.pipeline_mode<synchronous>, transform_indices = @transform_6, window_bounds = array<i64: 3, 64>}, {transform_indices = @transform_7, window_bounds = array<i64: 1000, 128>}, {transform_indices = @transform_8, window_bounds = array<i64: 3, 1000, 1>}]} {
    %get3A = arith.constant 0 : index
    %get3A_0 = arith.constant 0 : index
    %get3A_1 = arith.constant 0 : index
    %get3A_2 = arith.constant 0 : index
    %get3A_3 = vector.load %arg1[%get3A, %get3A_0, %get3A_1, %get3A_2] : memref<3x2x1000x128xf32, #tpu.memory_space<vmem>>, vector<1x1x1000x128xf32>
    %get3A_4 = vector.shape_cast %get3A_3 : vector<1x1x1000x128xf32> to vector<1000x128xf32>
    %get3A_5 = arith.constant 0 : index
    %get3A_6 = arith.constant 1 : index
    %get3A_7 = arith.constant 0 : index
    %get3A_8 = arith.constant 0 : index
    %get3A_9 = vector.load %arg1[%get3A_5, %get3A_6, %get3A_7, %get3A_8] : memref<3x2x1000x128xf32, #tpu.memory_space<vmem>>, vector<1x1x1000x128xf32>
    %get3A_10 = vector.shape_cast %get3A_9 : vector<1x1x1000x128xf32> to vector<1000x128xf32>
    %add3A = arith.addf %get3A_4, %get3A_10 : vector<1000x128xf32>
    %get3A_11 = arith.constant 0 : index
    %get3A_12 = arith.constant 0 : index
    %get3A_13 = arith.constant 0 : index
    %get3A_14 = arith.constant 0 : index
    %get3A_15 = vector.load %arg2[%get3A_11, %get3A_12, %get3A_13, %get3A_14] : memref<3x2x1000x1xf32, #tpu.memory_space<vmem>>, vector<1x1x1000x1xf32>
    %get3A_16 = vector.shape_cast %get3A_15 : vector<1x1x1000x1xf32> to vector<1000xf32>
    %get3A_17 = arith.constant 0 : index
    %get3A_18 = arith.constant 1 : index
    %get3A_19 = arith.constant 0 : index
    %get3A_20 = arith.constant 0 : index
    %get3A_21 = vector.load %arg2[%get3A_17, %get3A_18, %get3A_19, %get3A_20] : memref<3x2x1000x1xf32, #tpu.memory_space<vmem>>, vector<1x1x1000x1xf32>
    %get3A_22 = vector.shape_cast %get3A_21 : vector<1x1x1000x1xf32> to vector<1000xf32>
    %add3A_23 = arith.addf %get3A_16, %get3A_22 : vector<1000xf32>
    %max3A = arith.constant 1.000000e+00 : f32
    %max3A_24 = vector.broadcast %max3A : f32 to vector<1000xf32>
    %max3A_25 = arith.maximumf %add3A_23, %max3A_24 : vector<1000xf32>
    %broadcast_in_dim3A = vector.shape_cast %max3A_25 : vector<1000xf32> to vector<1000x1xf32>
    %div3A = vector.broadcast %broadcast_in_dim3A : vector<1000x1xf32> to vector<1000x128xf32>
    %div3A_26 = arith.divf %add3A, %div3A : vector<1000x128xf32>
    %get3A_27 = arith.constant 0 : index
    %get3A_28 = arith.constant 0 : index
    %get3A_29 = arith.constant 0 : index
    %get3A_30 = vector.load %arg3[%get3A_27, %get3A_28, %get3A_29] : memref<3x128x128xf32, #tpu.memory_space<vmem>>, vector<1x128x128xf32>
    %get3A_31 = vector.shape_cast %get3A_30 : vector<1x128x128xf32> to vector<128x128xf32>
    %dot_general3A = arith.constant dense<0.000000e+00> : vector<1000x128xf32>
    %dot_general3A_32 = tpu.matmul %div3A_26, %get3A_31, %dot_general3A {dimension_numbers = #tpu.dot_dimension_numbers<[1], [0], [0], [1], [0, 0, 1, 1], [], []>, transpose_lhs_hint = false} : vector<1000x128xf32>, vector<128x128xf32>, vector<1000x128xf32> -> vector<1000x128xf32>
    %get3A_33 = arith.constant 0 : index
    %get3A_34 = arith.constant 0 : index
    %get3A_35 = vector.load %arg4[%get3A_33, %get3A_34] : memref<3x128xf32, #tpu.memory_space<vmem>>, vector<1x128xf32>
    %get3A_36 = vector.shape_cast %get3A_35 : vector<1x128xf32> to vector<128xf32>
    %broadcast_in_dim3A_37 = vector.shape_cast %get3A_36 : vector<128xf32> to vector<1x128xf32>
    %add3A_38 = vector.broadcast %broadcast_in_dim3A_37 : vector<1x128xf32> to vector<1000x128xf32>
    %add3A_39 = arith.addf %dot_general3A_32, %add3A_38 : vector<1000x128xf32>
    %get3A_40 = arith.constant 0 : index
    %get3A_41 = arith.constant 0 : index
    %get3A_42 = arith.constant 0 : index
    %get3A_43 = vector.load %arg5[%get3A_40, %get3A_41, %get3A_42] : memref<3x128x64xf32, #tpu.memory_space<vmem>>, vector<1x128x64xf32>
    %get3A_44 = vector.shape_cast %get3A_43 : vector<1x128x64xf32> to vector<128x64xf32>
    %dot_general3A_45 = arith.constant dense<0.000000e+00> : vector<1000x64xf32>
    %dot_general3A_46 = tpu.matmul %add3A_39, %get3A_44, %dot_general3A_45 {dimension_numbers = #tpu.dot_dimension_numbers<[1], [0], [0], [1], [0, 0, 1, 1], [], []>, transpose_lhs_hint = false} : vector<1000x128xf32>, vector<128x64xf32>, vector<1000x64xf32> -> vector<1000x64xf32>
    %get3A_47 = arith.constant 0 : index
    %get3A_48 = arith.constant 0 : index
    %get3A_49 = vector.load %arg6[%get3A_47, %get3A_48] : memref<3x64xf32, #tpu.memory_space<vmem>>, vector<1x64xf32>
    %get3A_50 = vector.shape_cast %get3A_49 : vector<1x64xf32> to vector<64xf32>
    %broadcast_in_dim3A_51 = vector.shape_cast %get3A_50 : vector<64xf32> to vector<1x64xf32>
    %add3A_52 = vector.broadcast %broadcast_in_dim3A_51 : vector<1x64xf32> to vector<1000x64xf32>
    %add3A_53 = arith.addf %dot_general3A_46, %add3A_52 : vector<1000x64xf32>
    %tanh3A = math.tanh %add3A_53 : vector<1000x64xf32>
    %get3A_54 = arith.constant 0 : index
    %get3A_55 = arith.constant 0 : index
    %get3A_56 = vector.load %arg7[%get3A_54, %get3A_55] : memref<3x64xf32, #tpu.memory_space<vmem>>, vector<1x64xf32>
    %get3A_57 = vector.shape_cast %get3A_56 : vector<1x64xf32> to vector<64xf32>
    %broadcast_in_dim3A_58 = vector.shape_cast %get3A_57 : vector<64xf32> to vector<1x64xf32>
    %mul3A = vector.broadcast %broadcast_in_dim3A_58 : vector<1x64xf32> to vector<1000x64xf32>
    %mul3A_59 = arith.mulf %tanh3A, %mul3A : vector<1000x64xf32>
    %reduce_sum3A = arith.constant dense<0.000000e+00> : vector<1000xf32>
    %reduce_sum3A_60 = vector.multi_reduction <add>, %mul3A_59, %reduce_sum3A [1] : vector<1000x64xf32> to vector<1000xf32>
    %get3A_61 = arith.constant 1 : index
    %get3A_62 = arith.constant 0 : index
    %get3A_63 = arith.constant 0 : index
    %get3A_64 = arith.constant 0 : index
    %get3A_65 = vector.load %arg1[%get3A_61, %get3A_62, %get3A_63, %get3A_64] : memref<3x2x1000x128xf32, #tpu.memory_space<vmem>>, vector<1x1x1000x128xf32>
    %get3A_66 = vector.shape_cast %get3A_65 : vector<1x1x1000x128xf32> to vector<1000x128xf32>
    %get3A_67 = arith.constant 1 : index
    %get3A_68 = arith.constant 1 : index
    %get3A_69 = arith.constant 0 : index
    %get3A_70 = arith.constant 0 : index
    %get3A_71 = vector.load %arg1[%get3A_67, %get3A_68, %get3A_69, %get3A_70] : memref<3x2x1000x128xf32, #tpu.memory_space<vmem>>, vector<1x1x1000x128xf32>
    %get3A_72 = vector.shape_cast %get3A_71 : vector<1x1x1000x128xf32> to vector<1000x128xf32>
    %add3A_73 = arith.addf %get3A_66, %get3A_72 : vector<1000x128xf32>
    %get3A_74 = arith.constant 1 : index
    %get3A_75 = arith.constant 0 : index
    %get3A_76 = arith.constant 0 : index
    %get3A_77 = arith.constant 0 : index
    %get3A_78 = vector.load %arg2[%get3A_74, %get3A_75, %get3A_76, %get3A_77] : memref<3x2x1000x1xf32, #tpu.memory_space<vmem>>, vector<1x1x1000x1xf32>
    %get3A_79 = vector.shape_cast %get3A_78 : vector<1x1x1000x1xf32> to vector<1000xf32>
    %get3A_80 = arith.constant 1 : index
    %get3A_81 = arith.constant 1 : index
    %get3A_82 = arith.constant 0 : index
    %get3A_83 = arith.constant 0 : index
    %get3A_84 = vector.load %arg2[%get3A_80, %get3A_81, %get3A_82, %get3A_83] : memref<3x2x1000x1xf32, #tpu.memory_space<vmem>>, vector<1x1x1000x1xf32>
    %get3A_85 = vector.shape_cast %get3A_84 : vector<1x1x1000x1xf32> to vector<1000xf32>
    %add3A_86 = arith.addf %get3A_79, %get3A_85 : vector<1000xf32>
    %max3A_87 = arith.constant 1.000000e+00 : f32
    %max3A_88 = vector.broadcast %max3A_87 : f32 to vector<1000xf32>
    %max3A_89 = arith.maximumf %add3A_86, %max3A_88 : vector<1000xf32>
    %broadcast_in_dim3A_90 = vector.shape_cast %max3A_89 : vector<1000xf32> to vector<1000x1xf32>
    %div3A_91 = vector.broadcast %broadcast_in_dim3A_90 : vector<1000x1xf32> to vector<1000x128xf32>
    %div3A_92 = arith.divf %add3A_73, %div3A_91 : vector<1000x128xf32>
    %get3A_93 = arith.constant 1 : index
    %get3A_94 = arith.constant 0 : index
    %get3A_95 = arith.constant 0 : index
    %get3A_96 = vector.load %arg3[%get3A_93, %get3A_94, %get3A_95] : memref<3x128x128xf32, #tpu.memory_space<vmem>>, vector<1x128x128xf32>
    %get3A_97 = vector.shape_cast %get3A_96 : vector<1x128x128xf32> to vector<128x128xf32>
    %dot_general3A_98 = arith.constant dense<0.000000e+00> : vector<1000x128xf32>
    %dot_general3A_99 = tpu.matmul %div3A_92, %get3A_97, %dot_general3A_98 {dimension_numbers = #tpu.dot_dimension_numbers<[1], [0], [0], [1], [0, 0, 1, 1], [], []>, transpose_lhs_hint = false} : vector<1000x128xf32>, vector<128x128xf32>, vector<1000x128xf32> -> vector<1000x128xf32>
    %get3A_100 = arith.constant 1 : index
    %get3A_101 = arith.constant 0 : index
    %get3A_102 = vector.load %arg4[%get3A_100, %get3A_101] : memref<3x128xf32, #tpu.memory_space<vmem>>, vector<1x128xf32>
    %get3A_103 = vector.shape_cast %get3A_102 : vector<1x128xf32> to vector<128xf32>
    %broadcast_in_dim3A_104 = vector.shape_cast %get3A_103 : vector<128xf32> to vector<1x128xf32>
    %add3A_105 = vector.broadcast %broadcast_in_dim3A_104 : vector<1x128xf32> to vector<1000x128xf32>
    %add3A_106 = arith.addf %dot_general3A_99, %add3A_105 : vector<1000x128xf32>
    %get3A_107 = arith.constant 1 : index
    %get3A_108 = arith.constant 0 : index
    %get3A_109 = arith.constant 0 : index
    %get3A_110 = vector.load %arg5[%get3A_107, %get3A_108, %get3A_109] : memref<3x128x64xf32, #tpu.memory_space<vmem>>, vector<1x128x64xf32>
    %get3A_111 = vector.shape_cast %get3A_110 : vector<1x128x64xf32> to vector<128x64xf32>
    %dot_general3A_112 = arith.constant dense<0.000000e+00> : vector<1000x64xf32>
    %dot_general3A_113 = tpu.matmul %add3A_106, %get3A_111, %dot_general3A_112 {dimension_numbers = #tpu.dot_dimension_numbers<[1], [0], [0], [1], [0, 0, 1, 1], [], []>, transpose_lhs_hint = false} : vector<1000x128xf32>, vector<128x64xf32>, vector<1000x64xf32> -> vector<1000x64xf32>
    %get3A_114 = arith.constant 1 : index
    %get3A_115 = arith.constant 0 : index
    %get3A_116 = vector.load %arg6[%get3A_114, %get3A_115] : memref<3x64xf32, #tpu.memory_space<vmem>>, vector<1x64xf32>
    %get3A_117 = vector.shape_cast %get3A_116 : vector<1x64xf32> to vector<64xf32>
    %broadcast_in_dim3A_118 = vector.shape_cast %get3A_117 : vector<64xf32> to vector<1x64xf32>
    %add3A_119 = vector.broadcast %broadcast_in_dim3A_118 : vector<1x64xf32> to vector<1000x64xf32>
    %add3A_120 = arith.addf %dot_general3A_113, %add3A_119 : vector<1000x64xf32>
    %tanh3A_121 = math.tanh %add3A_120 : vector<1000x64xf32>
    %get3A_122 = arith.constant 1 : index
    %get3A_123 = arith.constant 0 : index
    %get3A_124 = vector.load %arg7[%get3A_122, %get3A_123] : memref<3x64xf32, #tpu.memory_space<vmem>>, vector<1x64xf32>
    %get3A_125 = vector.shape_cast %get3A_124 : vector<1x64xf32> to vector<64xf32>
    %broadcast_in_dim3A_126 = vector.shape_cast %get3A_125 : vector<64xf32> to vector<1x64xf32>
    %mul3A_127 = vector.broadcast %broadcast_in_dim3A_126 : vector<1x64xf32> to vector<1000x64xf32>
    %mul3A_128 = arith.mulf %tanh3A_121, %mul3A_127 : vector<1000x64xf32>
    %reduce_sum3A_129 = arith.constant dense<0.000000e+00> : vector<1000xf32>
    %reduce_sum3A_130 = vector.multi_reduction <add>, %mul3A_128, %reduce_sum3A_129 [1] : vector<1000x64xf32> to vector<1000xf32>
    %get3A_131 = arith.constant 2 : index
    %get3A_132 = arith.constant 0 : index
    %get3A_133 = arith.constant 0 : index
    %get3A_134 = arith.constant 0 : index
    %get3A_135 = vector.load %arg1[%get3A_131, %get3A_132, %get3A_133, %get3A_134] : memref<3x2x1000x128xf32, #tpu.memory_space<vmem>>, vector<1x1x1000x128xf32>
    %get3A_136 = vector.shape_cast %get3A_135 : vector<1x1x1000x128xf32> to vector<1000x128xf32>
    %get3A_137 = arith.constant 2 : index
    %get3A_138 = arith.constant 1 : index
    %get3A_139 = arith.constant 0 : index
    %get3A_140 = arith.constant 0 : index
    %get3A_141 = vector.load %arg1[%get3A_137, %get3A_138, %get3A_139, %get3A_140] : memref<3x2x1000x128xf32, #tpu.memory_space<vmem>>, vector<1x1x1000x128xf32>
    %get3A_142 = vector.shape_cast %get3A_141 : vector<1x1x1000x128xf32> to vector<1000x128xf32>
    %add3A_143 = arith.addf %get3A_136, %get3A_142 : vector<1000x128xf32>
    %get3A_144 = arith.constant 2 : index
    %get3A_145 = arith.constant 0 : index
    %get3A_146 = arith.constant 0 : index
    %get3A_147 = arith.constant 0 : index
    %get3A_148 = vector.load %arg2[%get3A_144, %get3A_145, %get3A_146, %get3A_147] : memref<3x2x1000x1xf32, #tpu.memory_space<vmem>>, vector<1x1x1000x1xf32>
    %get3A_149 = vector.shape_cast %get3A_148 : vector<1x1x1000x1xf32> to vector<1000xf32>
    %get3A_150 = arith.constant 2 : index
    %get3A_151 = arith.constant 1 : index
    %get3A_152 = arith.constant 0 : index
    %get3A_153 = arith.constant 0 : index
    %get3A_154 = vector.load %arg2[%get3A_150, %get3A_151, %get3A_152, %get3A_153] : memref<3x2x1000x1xf32, #tpu.memory_space<vmem>>, vector<1x1x1000x1xf32>
    %get3A_155 = vector.shape_cast %get3A_154 : vector<1x1x1000x1xf32> to vector<1000xf32>
    %add3A_156 = arith.addf %get3A_149, %get3A_155 : vector<1000xf32>
    %max3A_157 = arith.constant 1.000000e+00 : f32
    %max3A_158 = vector.broadcast %max3A_157 : f32 to vector<1000xf32>
    %max3A_159 = arith.maximumf %add3A_156, %max3A_158 : vector<1000xf32>
    %broadcast_in_dim3A_160 = vector.shape_cast %max3A_159 : vector<1000xf32> to vector<1000x1xf32>
    %div3A_161 = vector.broadcast %broadcast_in_dim3A_160 : vector<1000x1xf32> to vector<1000x128xf32>
    %div3A_162 = arith.divf %add3A_143, %div3A_161 : vector<1000x128xf32>
    %get3A_163 = arith.constant 2 : index
    %get3A_164 = arith.constant 0 : index
    %get3A_165 = arith.constant 0 : index
    %get3A_166 = vector.load %arg3[%get3A_163, %get3A_164, %get3A_165] : memref<3x128x128xf32, #tpu.memory_space<vmem>>, vector<1x128x128xf32>
    %get3A_167 = vector.shape_cast %get3A_166 : vector<1x128x128xf32> to vector<128x128xf32>
    %dot_general3A_168 = arith.constant dense<0.000000e+00> : vector<1000x128xf32>
    %dot_general3A_169 = tpu.matmul %div3A_162, %get3A_167, %dot_general3A_168 {dimension_numbers = #tpu.dot_dimension_numbers<[1], [0], [0], [1], [0, 0, 1, 1], [], []>, transpose_lhs_hint = false} : vector<1000x128xf32>, vector<128x128xf32>, vector<1000x128xf32> -> vector<1000x128xf32>
    %get3A_170 = arith.constant 2 : index
    %get3A_171 = arith.constant 0 : index
    %get3A_172 = vector.load %arg4[%get3A_170, %get3A_171] : memref<3x128xf32, #tpu.memory_space<vmem>>, vector<1x128xf32>
    %get3A_173 = vector.shape_cast %get3A_172 : vector<1x128xf32> to vector<128xf32>
    %broadcast_in_dim3A_174 = vector.shape_cast %get3A_173 : vector<128xf32> to vector<1x128xf32>
    %add3A_175 = vector.broadcast %broadcast_in_dim3A_174 : vector<1x128xf32> to vector<1000x128xf32>
    %add3A_176 = arith.addf %dot_general3A_169, %add3A_175 : vector<1000x128xf32>
    %get3A_177 = arith.constant 2 : index
    %get3A_178 = arith.constant 0 : index
    %get3A_179 = arith.constant 0 : index
    %get3A_180 = vector.load %arg5[%get3A_177, %get3A_178, %get3A_179] : memref<3x128x64xf32, #tpu.memory_space<vmem>>, vector<1x128x64xf32>
    %get3A_181 = vector.shape_cast %get3A_180 : vector<1x128x64xf32> to vector<128x64xf32>
    %dot_general3A_182 = arith.constant dense<0.000000e+00> : vector<1000x64xf32>
    %dot_general3A_183 = tpu.matmul %add3A_176, %get3A_181, %dot_general3A_182 {dimension_numbers = #tpu.dot_dimension_numbers<[1], [0], [0], [1], [0, 0, 1, 1], [], []>, transpose_lhs_hint = false} : vector<1000x128xf32>, vector<128x64xf32>, vector<1000x64xf32> -> vector<1000x64xf32>
    %get3A_184 = arith.constant 2 : index
    %get3A_185 = arith.constant 0 : index
    %get3A_186 = vector.load %arg6[%get3A_184, %get3A_185] : memref<3x64xf32, #tpu.memory_space<vmem>>, vector<1x64xf32>
    %get3A_187 = vector.shape_cast %get3A_186 : vector<1x64xf32> to vector<64xf32>
    %broadcast_in_dim3A_188 = vector.shape_cast %get3A_187 : vector<64xf32> to vector<1x64xf32>
    %add3A_189 = vector.broadcast %broadcast_in_dim3A_188 : vector<1x64xf32> to vector<1000x64xf32>
    %add3A_190 = arith.addf %dot_general3A_183, %add3A_189 : vector<1000x64xf32>
    %tanh3A_191 = math.tanh %add3A_190 : vector<1000x64xf32>
    %get3A_192 = arith.constant 2 : index
    %get3A_193 = arith.constant 0 : index
    %get3A_194 = vector.load %arg7[%get3A_192, %get3A_193] : memref<3x64xf32, #tpu.memory_space<vmem>>, vector<1x64xf32>
    %get3A_195 = vector.shape_cast %get3A_194 : vector<1x64xf32> to vector<64xf32>
    %broadcast_in_dim3A_196 = vector.shape_cast %get3A_195 : vector<64xf32> to vector<1x64xf32>
    %mul3A_197 = vector.broadcast %broadcast_in_dim3A_196 : vector<1x64xf32> to vector<1000x64xf32>
    %mul3A_198 = arith.mulf %tanh3A_191, %mul3A_197 : vector<1000x64xf32>
    %reduce_sum3A_199 = arith.constant dense<0.000000e+00> : vector<1000xf32>
    %reduce_sum3A_200 = vector.multi_reduction <add>, %mul3A_198, %reduce_sum3A_199 [1] : vector<1000x64xf32> to vector<1000xf32>
    %stack3A = vector.shape_cast %reduce_sum3A_60 : vector<1000xf32> to vector<1x1000xf32>
    %stack3A_201 = vector.shape_cast %reduce_sum3A_130 : vector<1000xf32> to vector<1x1000xf32>
    %stack3A_202 = vector.shape_cast %reduce_sum3A_200 : vector<1000xf32> to vector<1x1000xf32>
    %stack3A_203 = tpu.concatenate %stack3A, %stack3A_201, %stack3A_202 in 0 : vector<1x1000xf32>, vector<1x1000xf32>, vector<1x1000xf32> -> vector<3x1000xf32>
    %reduce_max3A = arith.constant dense<0xFF800000> : vector<1000xf32>
    %reduce_max3A_204 = vector.multi_reduction <maximumf>, %stack3A_203, %reduce_max3A [0] : vector<3x1000xf32> to vector<1000xf32>
    %broadcast_in_dim3A_205 = vector.shape_cast %reduce_max3A_204 : vector<1000xf32> to vector<1x1000xf32>
    %sub3A = vector.broadcast %broadcast_in_dim3A_205 : vector<1x1000xf32> to vector<3x1000xf32>
    %sub3A_206 = arith.subf %stack3A_203, %sub3A : vector<3x1000xf32>
    %exp3A = math.exp %sub3A_206 : vector<3x1000xf32>
    %reduce_sum3A_207 = arith.constant dense<0.000000e+00> : vector<1000xf32>
    %reduce_sum3A_208 = vector.multi_reduction <add>, %exp3A, %reduce_sum3A_207 [0] : vector<3x1000xf32> to vector<1000xf32>
    %broadcast_in_dim3A_209 = vector.shape_cast %reduce_sum3A_208 : vector<1000xf32> to vector<1x1000xf32>
    %div3A_210 = vector.broadcast %broadcast_in_dim3A_209 : vector<1x1000xf32> to vector<3x1000xf32>
    %div3A_211 = arith.divf %exp3A, %div3A_210 : vector<3x1000xf32>
    %slice3A = vector.extract_strided_slice %div3A_211 {offsets = [0, 0], sizes = [1, 1000], strides = [1, 1]} : vector<3x1000xf32> to vector<1x1000xf32>
    %squeeze3A = vector.shape_cast %slice3A : vector<1x1000xf32> to vector<1000xf32>
    %broadcast_in_dim3A_212 = vector.shape_cast %squeeze3A : vector<1000xf32> to vector<1000x1xf32>
    %mul3A_213 = vector.broadcast %broadcast_in_dim3A_212 : vector<1000x1xf32> to vector<1000x128xf32>
    %mul3A_214 = arith.mulf %mul3A_213, %add3A_39 : vector<1000x128xf32>
    %slice3A_215 = vector.extract_strided_slice %div3A_211 {offsets = [1, 0], sizes = [1, 1000], strides = [1, 1]} : vector<3x1000xf32> to vector<1x1000xf32>
    %squeeze3A_216 = vector.shape_cast %slice3A_215 : vector<1x1000xf32> to vector<1000xf32>
    %broadcast_in_dim3A_217 = vector.shape_cast %squeeze3A_216 : vector<1000xf32> to vector<1000x1xf32>
    %mul3A_218 = vector.broadcast %broadcast_in_dim3A_217 : vector<1000x1xf32> to vector<1000x128xf32>
    %mul3A_219 = arith.mulf %mul3A_218, %add3A_106 : vector<1000x128xf32>
    %add3A_220 = arith.addf %mul3A_214, %mul3A_219 : vector<1000x128xf32>
    %slice3A_221 = vector.extract_strided_slice %div3A_211 {offsets = [2, 0], sizes = [1, 1000], strides = [1, 1]} : vector<3x1000xf32> to vector<1x1000xf32>
    %squeeze3A_222 = vector.shape_cast %slice3A_221 : vector<1x1000xf32> to vector<1000xf32>
    %broadcast_in_dim3A_223 = vector.shape_cast %squeeze3A_222 : vector<1000xf32> to vector<1000x1xf32>
    %mul3A_224 = vector.broadcast %broadcast_in_dim3A_223 : vector<1000x1xf32> to vector<1000x128xf32>
    %mul3A_225 = arith.mulf %mul3A_224, %add3A_176 : vector<1000x128xf32>
    %add3A_226 = arith.addf %add3A_220, %mul3A_225 : vector<1000x128xf32>
    %swap3A = arith.constant 0 : index
    %swap3A_227 = arith.constant 0 : index
    %swap3A_228 = vector.load %arg8[%swap3A, %swap3A_227] : memref<1000x128xf32, #tpu.memory_space<vmem>>, vector<1000x128xf32>
    tpu.vector_store %arg8[%swap3A, %swap3A_227], %add3A_226 {strides = array<i32>} : memref<1000x128xf32, #tpu.memory_space<vmem>>, vector<1000x128xf32>,
    %broadcast_in_dim3A_229 = vector.shape_cast %div3A_211 : vector<3x1000xf32> to vector<3x1000x1xf32>
    %swap3A_230 = arith.constant 0 : index
    %swap3A_231 = arith.constant 0 : index
    %swap3A_232 = arith.constant 0 : index
    %swap3A_233 = vector.load %arg9[%swap3A_230, %swap3A_231, %swap3A_232] : memref<3x1000x1xf32, #tpu.memory_space<vmem>>, vector<3x1000x1xf32>
    tpu.vector_store %arg9[%swap3A_230, %swap3A_231, %swap3A_232], %broadcast_in_dim3A_229 {strides = array<i32>} : memref<3x1000x1xf32, #tpu.memory_space<vmem>>, vector<3x1000x1xf32>,
    return
  }
  func.func @transform_0(%arg0: i32) -> (i32, i32, i32, i32) {
    %c0_i32 = arith.constant 0 : i32
    %c0_i32_0 = arith.constant 0 : i32
    %c0_i32_1 = arith.constant 0 : i32
    %c0_i32_2 = arith.constant 0 : i32
    return %c0_i32, %c0_i32_0, %arg0, %c0_i32_1 : i32, i32, i32, i32
  }
  func.func @transform_1(%arg0: i32) -> (i32, i32, i32, i32) {
    %c0_i32 = arith.constant 0 : i32
    %c0_i32_0 = arith.constant 0 : i32
    %c0_i32_1 = arith.constant 0 : i32
    %c0_i32_2 = arith.constant 0 : i32
    return %c0_i32, %c0_i32_0, %arg0, %c0_i32_1 : i32, i32, i32, i32
  }
  func.func @transform_2(%arg0: i32) -> (i32, i32, i32) {
    %c0_i32 = arith.constant 0 : i32
    %c0_i32_0 = arith.constant 0 : i32
    %c0_i32_1 = arith.constant 0 : i32
    %c0_i32_2 = arith.constant 0 : i32
    return %c0_i32, %c0_i32_0, %c0_i32_1 : i32, i32, i32
  }
  func.func @transform_3(%arg0: i32) -> (i32, i32) {
    %c0_i32 = arith.constant 0 : i32
    %c0_i32_0 = arith.constant 0 : i32
    %c0_i32_1 = arith.constant 0 : i32
    return %c0_i32, %c0_i32_0 : i32, i32
  }
  func.func @transform_4(%arg0: i32) -> (i32, i32, i32) {
    %c0_i32 = arith.constant 0 : i32
    %c0_i32_0 = arith.constant 0 : i32
    %c0_i32_1 = arith.constant 0 : i32
    %c0_i32_2 = arith.constant 0 : i32
    return %c0_i32, %c0_i32_0, %c0_i32_1 : i32, i32, i32
  }
  func.func @transform_5(%arg0: i32) -> (i32, i32) {
    %c0_i32 = arith.constant 0 : i32
    %c0_i32_0 = arith.constant 0 : i32
    %c0_i32_1 = arith.constant 0 : i32
    return %c0_i32, %c0_i32_0 : i32, i32
  }
  func.func @transform_6(%arg0: i32) -> (i32, i32) {
    %c0_i32 = arith.constant 0 : i32
    %c0_i32_0 = arith.constant 0 : i32
    %c0_i32_1 = arith.constant 0 : i32
    return %c0_i32, %c0_i32_0 : i32, i32
  }
  func.func @transform_7(%arg0: i32) -> (i32, i32) {
    %c0_i32 = arith.constant 0 : i32
    %c0_i32_0 = arith.constant 0 : i32
    return %arg0, %c0_i32 : i32, i32
  }
  func.func @transform_8(%arg0: i32) -> (i32, i32, i32) {
    %c0_i32 = arith.constant 0 : i32
    %c0_i32_0 = arith.constant 0 : i32
    %c0_i32_1 = arith.constant 0 : i32
    return %c0_i32, %arg0, %c0_i32_0 : i32, i32, i32
  }
}

</mosaic_0001>

<sc_bundles>
// kernel: kernel.4.cloned.1.call-start
scs
__scs_entry_jumppad:
0x0: {  	(pc) =	sbr.rel $0x88, $3  }
0x1: {  	(tag) =	ssettag $0x0;
	lr =	simm.s32 $0x1  }
0x2: {  	[smem:$0x3F8E] =	sst lr;
	_ =	strace $0xD0000000  }
0x3: {  	_ = 	snop  }
0x4: {  	_ = 	snop  }
0x5: {  	_ = 	snop  }
0x6: {  	_ = 	snop  }
0x7: {  	_ = 	snop  }
__scs_overlays_trampoline_lowered:
0x8: {  	[smem:$0x3F9D] =	sst s0  }
0x9: {  	[smem:$0x3F9E] =	sst s1  }
0xa: {  	[smem:$0x3F9F] =	sst s2  }
0xb: {  	[smem:$0x3FA0] =	sst s3  }
0xc: {  	[smem:$0x3FA1] =	sst s4  }
0xd: {  	[smem:$0x3FA2] =	sst s5  }
0xe: {  	[smem:$0x3FA3] =	sst s6  }
0xf: {  	[smem:$0x3FA4] =	sst s7  }
0x10: {  	[smem:$0x3FA5] =	sst s8  }
0x11: {  	[smem:$0x3FA6] =	sst s9;
	s0 =	simm.s32 @!p0 $0x0  }
0x12: {  	s1 =	sld [smem:$0x3F8C];
	s0 =	simm.s32 @p0 $0x1  }
0x13: {  	[smem:$0x3FA7] =	sst s0;
	s0 =	simm.s32 @!p1 $0x0  }
0x14: {  	s2 =	sld [smem:$0x3F8B];
	s0 =	simm.s32 @p1 $0x1  }
0x15: {  	[smem:$0x3FA8] =	sst s0;
	s0 =	simm.s32 @!p2 $0x0  }
0x16: {  	s3 =	sld [smem:$0x3FDB];
	s0 =	simm.s32 @p2 $0x1  }
0x17: {  	s4 =	simm.s32 $0x1BF5;
	[smem:$0x3FAA] =	sst s0  }
0x18: {  	s0 =	sld [smem:$0x3F8D];
	_ =	swait.ge [sflag:s4], $0x0  }
0x19: {  	s7 =	sld [smem:$0x3F8E]  }
0x1a: {  	s8 =	sadd.s32 $0xFFFFE003, lr  }
0x1b: {  	s9 =	sadd.s32 $0xFFFFFEF7, lr;
	s5 =	simm.s32 $0xFFFFFFFF;
	p2 =	slt.u32 s8, $0xFFFFF086  }
0x1c: {  	p1 =	slt.u32 s9, $0xF7A;
	s5 =	simm.s32 @!p2 $0x0  }
0x1d: {  	s5 =	simm.s32 @p1 $0x1;
	p0 =	seq.s32 s7, s2  }
0x1e: {  	s7 =	smul.u32 @!p0 $0xF7A, s2;
	p2 =	seq.s32 @!p0 s5, $0x0  }
0x1f: {  	s9 =	smul.u32 $0xF7A, s1;
	s8 =	simm.s32 @!p0 $0x1BF5;
	p2 =	por !p2, p0  }
0x20: {  	[sflag:s8] =	ssyncset.s32 @!p0 $0xFFFFF086;
	s6 =	sadd.s32 @!p0 s3, s7;
	s7 =	simm.s32 @!p0 $0x108  }
0x21: {  	s3 =	sadd.s32 s3, s9;
	s6 =	sadd.s32 @!p0 $0x88, s6;
	s7 =	simm.s32 @p2 $0x1082  }
0x22: {  	[simem:s7], [sflag:s8] =	dma.local @!p0 [hbm:s6], $0xF7A  }
0x23: {  	s9 =	sor.u32 $0xD0000000, s2;
	s6 =	simm.s32 $0x108;
	_ =	swait.ge @!p0 [sflag:s8], $0x0  }
0x24: {  	s3 =	sadd.s32 $0x88, s3;
	s6 =	simm.s32 @!p1 $0x1082;
	[sflag:s4] =	ssyncset.s32 $0xFFFFF086  }
0x25: {  	[simem:s6], [sflag:s4] =	dma.local [hbm:s3], $0xF7A  }
0x26: {  	[smem:$0x3F8E] =	sst s1;
	(tag) =	ssettag s2;
	_ =	strace s9  }
0x27: {  	s1 =	sld [smem:$0x3F9E]  }
0x28: {  	s2 =	sld [smem:$0x3F9F]  }
0x29: {  	s4 =	sld [smem:$0x3FA1]  }
0x2a: {  	p0 =	seq.s32 s5, $0x0;
	s5 =	sld [smem:$0x3FA2]  }
0x2b: {  	s6 =	sld [smem:$0x3FA3]  }
0x2c: {  	s7 =	sld [smem:$0x3FA4]  }
0x2d: {  	s3 =	simm.s32 $0x108;
	s8 =	sld [smem:$0x3FA5]  }
0x2e: {  	s3 =	simm.s32 @!p0 $0x1082;
	s9 =	sld [smem:$0x3FA6]  }
0x2f: {  	lr =	sadd.s32 s0, s3;
	s0 =	sld [smem:$0x3F9D]  }
0x30: {  	s3 =	sld [smem:$0x3FA0]  }
0x31: {  	[smem:$0x3FA9] =	sst s10  }
0x32: {  	s10 =	sld [smem:$0x3FA7];
	_ =	sdelay $0x3  }
0x33: {  	p0 =	seq.s32 s10, $0x1;
	s10 =	sld [smem:$0x3FA9];
	_ =	sdelay $0x3  }
0x34: {  	[smem:$0x3FA9] =	sst s10  }
0x35: {  	s10 =	sld [smem:$0x3FA8];
	_ =	sdelay $0x3  }
0x36: {  	p1 =	seq.s32 s10, $0x1;
	s10 =	sld [smem:$0x3FA9];
	_ =	sdelay $0x3  }
0x37: {  	[smem:$0x3FA9] =	sst s10  }
0x38: {  	s10 =	sld [smem:$0x3FAA]  }
0x39: {  	_ = 	snop;
	(pc) =	sbr.ind lr, $3  }
0x3a: {  	_ = 	snop  }
0x3b: {  	_ = 	snop  }
0x3c: {  	p2 =	seq.s32 s10, $0x1;
	s10 =	sld [smem:$0x3FA9]  }
0x3d: {  	_ =	shalt  }
0x3e: {  	_ =	shalt  }
0x3f: {  	_ =	shalt  }
0x40: {  	_ =	shalt  }
0x41: {  	_ =	shalt  }
0x42: {  	_ =	shalt  }
0x43: {  	_ =	shalt  }
0x44: {  	_ =	shalt  }
0x45: {  	_ =	shalt  }
0x46: {  	_ =	shalt  }
0x47: {  	_ =	shalt  }
0x48: {  	_ =	shalt  }
0x49: {  	_ =	shalt  }
0x4a: {  	_ =	shalt  }
0x4b: {  	_ =	shalt  }
0x4c: {  	_ =	shalt  }
0x4d: {  	_ =	shalt  }
0x4e: {  	_ =	shalt  }
0x4f: {  	_ =	shalt  }
0x50: {  	_ =	shalt  }
0x51: {  	_ =	shalt  }
0x52: {  	_ =	shalt  }
0x53: {  	_ =	shalt  }
0x54: {  	_ =	shalt  }
0x55: {  	_ =	shalt  }
0x56: {  	_ =	shalt  }
0x57: {  	_ =	shalt  }
0x58: {  	_ =	shalt  }
0x59: {  	_ =	shalt  }
0x5a: {  	_ =	shalt  }
0x5b: {  	_ =	shalt  }
0x5c: {  	_ =	shalt  }
0x5d: {  	_ =	shalt  }
0x5e: {  	_ =	shalt  }
0x5f: {  	_ =	shalt  }
0x60: {  	_ =	shalt  }
0x61: {  	_ =	shalt  }
0x62: {  	_ =	shalt  }
0x63: {  	_ =	shalt  }
0x64: {  	_ =	shalt  }
0x65: {  	_ =	shalt  }
0x66: {  	_ =	shalt  }
0x67: {  	_ =	shalt  }
0x68: {  	_ =	shalt  }
0x69: {  	_ =	shalt  }
0x6a: {  	_ =	shalt  }
0x6b: {  	_ =	shalt  }
0x6c: {  	_ =	shalt  }
0x6d: {  	_ =	shalt  }
0x6e: {  	_ =	shalt  }
0x6f: {  	_ =	shalt  }
0x70: {  	_ =	shalt  }
0x71: {  	_ =	shalt  }
0x72: {  	_ =	shalt  }
0x73: {  	_ =	shalt  }
0x74: {  	_ =	shalt  }
0x75: {  	_ =	shalt  }
0x76: {  	_ =	shalt  }
0x77: {  	_ =	shalt  }
0x78: {  	_ =	shalt  }
0x79: {  	_ =	shalt  }
0x7a: {  	_ =	shalt  }
0x7b: {  	_ =	shalt  }
0x7c: {  	_ =	shalt  }
0x7d: {  	_ =	shalt  }
0x7e: {  	_ =	shalt  }
0x7f: {  	_ =	shalt  }
0x80: {  	_ =	shalt  }
0x81: {  	_ =	shalt  }
0x82: {  	_ =	shalt  }
0x83: {  	_ =	shalt  }
0x84: {  	_ =	shalt  }
0x85: {  	_ =	shalt  }
0x86: {  	_ =	shalt  }
0x87: {  	_ =	shalt  }
.Lfunc_end0:
.L_simem_size_0:
called_computation_lowered:
.L_overlay_start_0:
0x88: {  	s2 =	sld [smem:$0x3FD9]  }
0x89: {  	s3 =	sld [smem:$0x3FFE];
	_ =	sdelay $0x1  }
0x8a: {  	s1 =	srdreg.scid  }
0x8b: {  	s0 =	sand.u32 $0x1, s1  }
0x8c: {  	s14 =	sshll.u32 s0, $0xA;
	s2 =	sadd.s32 s3, s2  }
0x8d: {  	s2 =	sadd.s32 s2, s14  }
0x8e: {  	[smem:$0x3FB5] =	sst s2  }
0x8f: {  	_ = 	snop  }
0x90: {  	s2 =	sld [smem:$0x3FD0];
	_ =	sdelay $0x2  }
0x91: {  	s4 =	simm.s32 $0xA;
	s5 =	simm.s32 $0x10;
	s15 =	sld [smem:$0x3FC9]  }
0x92: {  	[smem:s5], [sflag:s4] =	dma.local [hbm:s2], $0x1  }
0x93: {  	_ =	swait.eq [sflag:s4], $0x1  }
0x94: {  	[sflag:s4] =	ssyncset.done $0x0  }
0x95: {  	s16 =	sld [smem:$0x10];
	[sflag:s4] =	ssyncadd.s32 $0xFFFFFFFF  }
0x96: {  	s17 =	sld [smem:$0x11];
	(tm) =	ssettm $0x1  }
0x97: {  	s18 =	sld [smem:$0x3FFB];
	_ =	sdelay $0x3  }
0x98: {  	_ =	strace s18  }
0x99: {  	s5 =	sld [smem:$0x3FFC];
	_ =	sdelay $0x3  }
0x9a: {  	_ =	strace s5  }
0x9b: {  	s5 =	sld [smem:$0x3FFD];
	_ =	sdelay $0x3  }
0x9c: {  	_ =	strace s5  }
0x9d: {  	_ =	strace $0x8FFFFFFF  }
0x9e: {  	s19 =	sld [smem:$0x3FDB];
	_ =	sdelay $0x1  }
0x9f: {  	s6 =	simm.s32 $_scs_section_size  }
0xa0: {  	s7 =	simm.s32 $_size__tile_overlayer_lowered;
	s8 =	simm.s32 $_tile_overlayer_lowered  }
0xa1: {  	s22 =	simm.s32 $0x1BFF;
	s21 =	sshll.u32 s8, $0x1;
	s5 =	sadd.s32 s6, s19  }
0xa2: {  	s9 =	simm.s32 $0x0;
	s20 =	sshll.u32 s7, $0x1;
	s7 =	sadd.s32 s21, s5  }
0xa3: {  	[timem:s9], [sflag:s22] =	dma.local [hbm:s7], s20  }
0xa4: {  	_ =	swait.ge [sflag:s22], s20  }
0xa5: {  	s6 =	ssub.s32 $0x0, s20;
	[sflag:s22] =	ssyncset.done $0x0  }
0xa6: {  	[sflag:s22] =	ssyncadd.s32 s6;
	_ =	sdelay $0x1  }
0xa7: {  	s23 =	simm.s32 $0x1B8B  }
0xa8: {  	_ =	swait.ge [sflag:s23], $0x1  }
0xa9: {  	[sflag:s23] =	ssyncset.done $0x0  }
0xaa: {  	s25 =	simm.s32 $0x1B8E;
	s24 =	sld [smem:$0x3FFE];
	[sflag:s23] =	ssyncadd.s32 $0xFFFFFFFF  }
0xab: {  	s26 =	simm.s32 $execute0_lowered;
	[smem:$0x3FD2] =	sst s25  }
0xac: {  	s7 =	sshll.u32 s26, $0x1;
	_ =	strace $0x80000046;
	[dreg:$0x1] =	wrdreg $0xFFFFFFFF  }
0xad: {  	s28 =	simm.s32 $_size_execute0_lowered;
	s5 =	sadd.s32 s5, s7;
	[dreg:$0x0] =	wrdreg $0x0  }
0xae: {  	s7 =	sshll.u32 s28, $0x1;
	[dreg:$0x2] =	wrdreg s5  }
0xaf: {  	[dreg:$0x3] =	wrdreg s7  }
0xb0: {  	[dreg:$0x4] =	wrdreg $0xC0  }
0xb1: {  	_ =	task [dreg:s9], $0x5FFFF  }
0xb2: {  	[dreg:$0x1] =	wrdreg $0xFFFFFFFF  }
0xb3: {  	[dreg:$0x0] =	wrdreg $0x60  }
0xb4: {  	[dreg:$0x2] =	wrdreg s15  }
0xb5: {  	[dreg:$0x3] =	wrdreg s16  }
0xb6: {  	[dreg:$0x4] =	wrdreg s24  }
0xb7: {  	[dreg:$0x5] =	wrdreg s17  }
0xb8: {  	[dreg:$0x6] =	wrdreg $0xA8800  }
0xb9: {  	[dreg:$0x7] =	wrdreg $0x1E4800  }
0xba: {  	[dreg:$0x8] =	wrdreg $0x1E6F80  }
0xbb: {  	[dreg:$0x9] =	wrdreg $0x1E9700  }
0xbc: {  	[dreg:$0xa] =	wrdreg $0x9  }
0xbd: {  	_ =	task.clear_ibuf [dreg:s9], $0xBFFFF;
	_ =	strace $0x90000046  }
0xbe: {  	s29 =	simm.s32 $0x9;
	_ =	strace $0x80000048  }
0xbf: {  	_ =	swait.ge [sflag:s29], $0x1  }
0xc0: {  	[sflag:s29] =	ssyncadd.s32 $0xFFFFFFFF  }
0xc1: {  	_ =	strace $0x90000048  }
0xc2: {  	_ =	sfence  }
0xc3: {  	s30 =	sld [smem:$0x0];
	_ =	sdelay $0x2  }
0xc4: {  	s31 =	sshll.u32 s1, $0xD;
	s1 =	sshrl.u32 s1, $0x2  }
0xc5: {  	s3 =	sand.u32 $0x4000, s31;
	s1 =	sadd.s32 s1, s30  }
0xc6: {  	s0 =	sor.u32 s3, s0;
	s1 =	sshll.u32 s1, $0x11  }
0xc7: {  	s0 =	sor.u32 s1, s0  }
0xc8: {  	s0 =	sadd.s32 $0x8F2B, s0  }
0xc9: {  	[sflag:s0] =	ssyncadd.remote.s32 $0x1  }
0xca: {  	_ =	sfence.sel $0xFFFF  }
0xcb: {  	[dreg:$0x0] =	wrdreg $0xFFFFFFFF;
	(pc) =	sbr.abs _section_cstart, $3  }
0xcc: {  	[dreg:$0x1] =	wrdreg $0xFFFFFFFF  }
0xcd: {  	_ =	task.clear_ibuf [dreg:s9], $0x2FFFF;
	_ =	strace $0x9FFFFFFF  }
0xce: {  	(tm) =	ssettm $0x7FFFFFFF  }
0xcf: {  	_ =	shalt  }
tec
execute0_lowered:
.L_overlay_start_1:
0x0: {  	(tag) =	ssettag $0x1  }
0x1: {  	s0 =	rddreg [dreg:$0x0]  }
0x2: {  	s1 =	rddreg [dreg:$0x1]  }
0x3: {  	s5 =	rddreg [dreg:$0x2]  }
0x4: {  	s2 =	rddreg [dreg:$0x4]  }
0x5: {  	s3 =	rddreg [dreg:$0x5]  }
0x6: {  	s4 =	rddreg [dreg:$0x6];
	s7 =	srdreg.scid  }
0x7: {  	s6 =	rddreg [dreg:$0x7];
	s16 =	stileid.u32  }
0x8: {  	s8 =	simm.s32 $0x0;
	s28 =	simm.s32 $0x1400;
	s29 =	simm.s32 $0x80  }
0x9: {  	s30 =	simm.s32 $0x2800;
	s31 =	simm.s32 $0x6800;
	s7 =	sand.u32 $0x1, s7  }
0xa: {  	s10 =	smul.u32 $0x13C00, s16;
	[smem:$0x7FF] =	sst s8;
	s11 =	sadd.s32 $0x1400, s5  }
0xb: {  	s12 =	sadd.s32 $0x10400, s5;
	s14 =	smul.u32 $0x4F000, s16;
	p0 =	sne.s32 s16, $0x0  }
0xc: {  	s9 =	smul.u32 $0x13C000, s7;
	_ =	strace $0x80000047;
	[dreg:$0x9] =	wrdreg s12  }
0xd: {  	s22 =	sshll.u32 s7, $0x4;
	s13 =	ssub.s32 $0x2, s7;
	s23 =	smul.u32 $0x4F0, s7  }
0xe: {  	s7 =	smul.u32 $0x2780, s7;
	s12 =	sor.u32 s16, s22;
	s15 =	sshrl.u32 s13, $0x1  }
0xf: {  	s14 =	sshrl.u32 s14, $0x2;
	s16 =	simm.s32 $0x2700;
	s12 =	smul.u32 $0x1400, s12  }
0x10: {  	s10 =	sadd.s32 s10, s9;
	s9 =	sadd.s32 $0x10600, s5;
	s13 =	ssub.s32 s13, s15  }
0x11: {  	s14 =	sadd.s32 s14, s2;
	s7 =	sshrl.u32 s7, $0x3;
	s12 =	sshrl.u32 s12, $0x3  }
0x12: {  	s10 =	sshrl.u32 s10, $0x3;
	[dreg:$0xa] =	wrdreg s14;
	s24 =	sadd.s32 s1, s12  }
0x13: {  	s10 =	sadd.s32 s10, s5;
	s25 =	sadd.s32 s11, s12;
	[dreg:$0xb] =	wrdreg s24  }
0x14: {  	s5 =	sadd.s32 $0x12E00, s5;
	s26 =	sadd.s32 $0x14C00, s10;
	[dreg:$0xc] =	wrdreg s25  }
0x15: {  	s15 =	simm.s32 $0x1380;
	s17 =	sadd.s32 s5, s23;
	[dreg:$0xd] =	wrdreg s26  }
0x16: {  	s18 =	sadd.s32 $0x5000, s12;
	s20 =	sadd.s32 $0x63C00, s10;
	[dreg:$0xe] =	wrdreg s17  }
0x17: {  	s5 =	sadd.s32 s5, s7;
	s19 =	sadd.s32 s1, s18;
	[dreg:$0x11] =	wrdreg s20  }
0x18: {  	s22 =	sadd.s32 $0xA000, s12;
	s14 =	sadd.s32 s11, s18;
	[dreg:$0xf] =	wrdreg s19  }
0x19: {  	s7 =	simm.s32 $0x2;
	s21 =	sadd.s32 $0x9E0, s5;
	[dreg:$0x10] =	wrdreg s14  }
0x1a: {  	s12 =	simm.s32 $0x2600;
	s1 =	sadd.s32 s1, s22;
	[dreg:$0x12] =	wrdreg s21  }
0x1b: {  	s23 =	sadd.s32 s11, s22;
	s24 =	sadd.s32 $0xB2C00, s10;
	[dreg:$0x13] =	wrdreg s1  }
0x1c: {  	s25 =	sadd.s32 $0x13C0, s5;
	s26 =	smax.u32 s13, $0x1;
	[dreg:$0x14] =	wrdreg s23  }
0x1d: {  	s5 =	simm.s32 $0x1;
	s10 =	simm.s32 $0x3;
	[dreg:$0x15] =	wrdreg s24  }
0x1e: {  	s11 =	simm.s32 $0x4;
	s13 =	simm.s32 $0x2680;
	[dreg:$0x16] =	wrdreg s25  }
0x1f: {  	s17 =	simm.s32 $0x2780;
	s18 =	simm.s32 $0x5;
	[dreg:$0x17] =	wrdreg s26  }
0x20: {  	s25 =	simm.s32 $0xA800;
	s26 =	simm.s32 $0x6;
	s19 =	simm.s32 $0x0  }
.LBB2_1:
0x21: {  	s1 =	rddreg [dreg:$0x9]  }
0x22: {  	[tilespmem:s25], [sflag:$0x6] =	stream.linear.gather [hbm4b:s1+s8], $0x80, $0x38;
	[tilespmem:$0x1EBE8] =	vst v63  }
0x23: {  	_ =	swait.ge [sflag:s26], $0x80  }
0x24: {  	[sflag:s26] =	ssyncset.done $0x0  }
0x25: {  	s24 =	sshrl.u32 @!p0 s3, $0x3;
	[sflag:s26] =	ssyncadd.s32 $0xFFFFFF80  }
0x26: {  	s21 =	simm.s32 @!p0 $0x6;
	s1 =	simm.s32 @!p0 $0x1C06;
	s14 =	rddreg [dreg:$0x3]  }
0x27: {  	[spmem:s24], [sflag:s1] =	dma.local @!p0 [hbm:s14], $0x4F0  }
0x28: {  	_ =	swait.ge @!p0 [sflag:s21], $0x4F0  }
0x29: {  	[sflag:s21] =	ssyncset.done @!p0 $0x0  }
0x2a: {  	s23 =	sshrl.u32 @!p0 s4, $0x3;
	[sflag:s21] =	ssyncadd.s32 @!p0 $0xFFFFFB10  }
0x2b: {  	[spmem:s23], [sflag:s1] =	dma.local @!p0 [hbm:s14], $0x4F0  }
0x2c: {  	_ =	swait.ge @!p0 [sflag:s21], $0x4F0  }
0x2d: {  	[sflag:s21] =	ssyncset.done @!p0 $0x0  }
0x2e: {  	s20 =	sshrl.u32 @!p0 s6, $0x3;
	[sflag:s21] =	ssyncadd.s32 @!p0 $0xFFFFFB10  }
0x2f: {  	[spmem:s20], [sflag:s1] =	dma.local @!p0 [hbm:s14], $0x4F0  }
0x30: {  	s14 =	stileid.u32;
	_ =	swait.ge @!p0 [sflag:s21], $0x4F0  }
0x31: {  	s1 =	sshll.u32 s14, $0x6;
	[sflag:s21] =	ssyncset.done @!p0 $0x0;
	s22 =	rddreg [dreg:$0xa]  }
0x32: {  	[sflag:s21] =	ssyncadd.s32 @!p0 $0xFFFFFB10;
	s21 =	sor.u32 $0x1C06, s1;
	s22 =	sshrl.u32 s22, $0x3  }
0x33: {  	[spmem:s22], [sflag:s21] =	dma.local [hbm:s9], $0x2780  }
0x34: {  	_ =	swait.ge [sflag:s26], $0x2780  }
0x35: {  	[sflag:s26] =	ssyncset.done $0x0  }
0x36: {  	s14 =	rddreg [dreg:$0xb];
	[sflag:s26] =	ssyncadd.s32 $0xFFFFD880  }
0x37: {  	[tilespmem:s8], [sflag:$0x6] =	stream.linear.gather [hbm4b:s14+s8], $0x1400, $0x38;
	[tilespmem:$0x1EBE8] =	vst v63  }
0x38: {  	_ =	swait.ge [sflag:s26], $0x1400  }
0x39: {  	[sflag:s26] =	ssyncset.done $0x0  }
0x3a: {  	s14 =	rddreg [dreg:$0xc];
	[sflag:s26] =	ssyncadd.s32 $0xFFFFEC00  }
0x3b: {  	[tilespmem:s28], [sflag:$0x6] =	stream.linear.gather [hbm4b:s14+s8], $0x1400, $0x38;
	[tilespmem:$0x1EBE8] =	vst v63  }
0x3c: {  	_ =	swait.ge [sflag:s26], $0x1400  }
0x3d: {  	[sflag:s26] =	ssyncset.done $0x0  }
0x3e: {  	[sflag:s26] =	ssyncadd.s32 $0xFFFFEC00  }
0x3f: {  	[bflag:$0x0] =	sbarrier.arrive $0xFFFF  }
0x40: {  	[tilespmem:s30], [sflag:$0x1] =	stream.indirect.gather [hbm4b:s0+s29], $0x80, s8, s29, $0xb8;
	[tilespmem:$0x1EBE8] =	vst v63  }
0x41: {  	_ = 	snop  }
0x42: {  	[tilespmem:s31], [sflag:$0x2] =	stream.indirect.gather [hbm4b:s0+s29], $0x80, s29, s29, $0xb8;
	[tilespmem:$0x1EBE8] =	vst v63  }
0x43: {  	_ =	swait.ge [sflag:s5], $0x4000  }
0x44: {  	[sflag:s5] =	ssyncset.done $0x0  }
0x45: {  	s14 =	simm.s32 $0x1400;
	[sflag:s5] =	ssyncadd.s32 $0xFFFFC000  }
0x46: {  	[spmem:s2] =	stream.indirect.scatter.add.f32 [tilespmem:s30], [sflag:$0x3], $0x80, s14, s29, $0xb8;
	[tilespmem:$0x1EBE8] =	vst v63  }
0x47: {  	_ = 	snop  }
0x48: {  	[spmem:s3] =	stream.indirect.scatter.add.f32 [tilespmem:s25], [sflag:$0x5], $0x1, s14, s29, $0xb8;
	[tilespmem:$0x1EBE8] =	vst v63  }
0x49: {  	_ =	swait.ge [sflag:s7], $0x4000  }
0x4a: {  	[sflag:s7] =	ssyncset.done $0x0  }
0x4b: {  	s14 =	simm.s32 $0x1480;
	[sflag:s7] =	ssyncadd.s32 $0xFFFFC000  }
0x4c: {  	[spmem:s2] =	stream.indirect.scatter.add.f32 [tilespmem:s31], [sflag:$0x4], $0x80, s14, s29, $0xb8;
	[tilespmem:$0x1EBE8] =	vst v63  }
0x4d: {  	_ = 	snop  }
0x4e: {  	[spmem:s3] =	stream.indirect.scatter.add.f32 [tilespmem:s25], [sflag:$0x5], $0x1, s14, s29, $0xb8;
	[tilespmem:$0x1EBE8] =	vst v63  }
0x4f: {  	_ =	swait.ge [sflag:s10], $0x4000  }
0x50: {  	[sflag:s10] =	ssyncset.done $0x0  }
0x51: {  	s14 =	simm.s32 $0x100;
	[sflag:s10] =	ssyncadd.s32 $0xFFFFC000  }
0x52: {  	[tilespmem:s30], [sflag:$0x1] =	stream.indirect.gather [hbm4b:s0+s29], $0x80, s14, s29, $0xb8;
	[tilespmem:$0x1EBE8] =	vst v63  }
0x53: {  	_ =	swait.ge [sflag:s11], $0x4000  }
0x54: {  	[sflag:s11] =	ssyncset.done $0x0  }
0x55: {  	s1 =	simm.s32 $0x400;
	s28 =	simm.s32 $0x180;
	[sflag:s11] =	ssyncadd.s32 $0xFFFFC000  }
.LBB2_2:
0x56: {  	[tilespmem:s31], [sflag:$0x2] =	stream.indirect.gather [hbm4b:s0+s29], $0x80, s28, s29, $0xb8;
	[tilespmem:$0x1EBE8] =	vst v63  }
0x57: {  	s28 =	smov.u32 s1  }
0x58: {  	p1 =	sne.s32 s1, $0x4400;
	s1 =	sadd.s32 $0x400, s1;
	_ =	swait.ge [sflag:s5], $0x4000  }
0x59: {  	s28 =	sshra.s32 s28, $0x2;
	[sflag:s5] =	ssyncset.done $0x0  }
0x5a: {  	s14 =	sadd.s32 $0x1400, s28;
	[sflag:s5] =	ssyncadd.s32 $0xFFFFC000  }
0x5b: {  	[spmem:s2] =	stream.indirect.scatter.add.f32 [tilespmem:s30], [sflag:$0x3], $0x80, s14, s29, $0xb8;
	[tilespmem:$0x1EBE8] =	vst v63  }
0x5c: {  	_ = 	snop  }
0x5d: {  	[spmem:s3] =	stream.indirect.scatter.add.f32 [tilespmem:s25], [sflag:$0x5], $0x1, s14, s29, $0xb8;
	[tilespmem:$0x1EBE8] =	vst v63  }
0x5e: {  	_ =	swait.ge [sflag:s7], $0x4000  }
0x5f: {  	[sflag:s7] =	ssyncset.done $0x0  }
0x60: {  	s14 =	sadd.s32 $0x1480, s28;
	[sflag:s7] =	ssyncadd.s32 $0xFFFFC000  }
0x61: {  	[spmem:s2] =	stream.indirect.scatter.add.f32 [tilespmem:s31], [sflag:$0x4], $0x80, s14, s29, $0xb8;
	[tilespmem:$0x1EBE8] =	vst v63  }
0x62: {  	_ = 	snop  }
0x63: {  	[spmem:s3] =	stream.indirect.scatter.add.f32 [tilespmem:s25], [sflag:$0x5], $0x1, s14, s29, $0xb8;
	[tilespmem:$0x1EBE8] =	vst v63  }
0x64: {  	_ =	swait.ge [sflag:s10], $0x4000  }
0x65: {  	[sflag:s10] =	ssyncset.done $0x0  }
.Ltmp0:
0x66: {  	s14 =	sadd.s32 $0x100, s28;
	[sflag:s10] =	ssyncadd.s32 $0xFFFFC000;
	(pc) =	sbr.rel @p1 .LBB2_2-.Ltmp0, $4  }
0x67: {  	[tilespmem:s30], [sflag:$0x1] =	stream.indirect.gather [hbm4b:s0+s29], $0x80, s14, s29, $0xb8;
	[tilespmem:$0x1EBE8] =	vst v63  }
0x68: {  	_ =	swait.ge [sflag:s11], $0x4000  }
0x69: {  	[sflag:s11] =	ssyncset.done $0x0  }
0x6a: {  	s28 =	sadd.s32 $0x180, s28;
	[sflag:s11] =	ssyncadd.s32 $0xFFFFC000  }
0x6b: {  	[tilespmem:s31], [sflag:$0x2] =	stream.indirect.gather [hbm4b:s0+s29], $0x80, s28, s29, $0xb8;
	[tilespmem:$0x1EBE8] =	vst v63  }
0x6c: {  	_ =	swait.ge [sflag:s5], $0x4000  }
0x6d: {  	[sflag:s5] =	ssyncset.done $0x0  }
0x6e: {  	[sflag:s5] =	ssyncadd.s32 $0xFFFFC000  }
0x6f: {  	[spmem:s2] =	stream.indirect.scatter.add.f32 [tilespmem:s30], [sflag:$0x3], $0x80, s12, s29, $0xb8;
	[tilespmem:$0x1EBE8] =	vst v63  }
0x70: {  	_ = 	snop  }
0x71: {  	[spmem:s3] =	stream.indirect.scatter.add.f32 [tilespmem:s25], [sflag:$0x5], $0x1, s12, s29, $0xb8;
	[tilespmem:$0x1EBE8] =	vst v63  }
0x72: {  	_ =	swait.ge [sflag:s7], $0x4000  }
0x73: {  	[sflag:s7] =	ssyncset.done $0x0  }
0x74: {  	[sflag:s7] =	ssyncadd.s32 $0xFFFFC000  }
0x75: {  	[spmem:s2] =	stream.indirect.scatter.add.f32 [tilespmem:s31], [sflag:$0x4], $0x80, s13, s29, $0xb8;
	[tilespmem:$0x1EBE8] =	vst v63  }
0x76: {  	_ = 	snop  }
0x77: {  	[spmem:s3] =	stream.indirect.scatter.add.f32 [tilespmem:s25], [sflag:$0x5], $0x1, s13, s29, $0xb8;
	[tilespmem:$0x1EBE8] =	vst v63  }
0x78: {  	_ =	swait.ge [sflag:s10], $0x4000  }
0x79: {  	[sflag:s10] =	ssyncset.done $0x0  }
0x7a: {  	s1 =	simm.s32 $0x1300;
	[sflag:s10] =	ssyncadd.s32 $0xFFFFC000  }
0x7b: {  	[tilespmem:s30], [sflag:$0x1] =	stream.indirect.gather [hbm4b:s0+s29], $0x80, s1, s29, $0xb8;
	[tilespmem:$0x1EBE8] =	vst v63  }
0x7c: {  	_ =	swait.ge [sflag:s11], $0x4000  }
0x7d: {  	[sflag:s11] =	ssyncset.done $0x0  }
0x7e: {  	[sflag:s11] =	ssyncadd.s32 $0xFFFFC000  }
0x7f: {  	[tilespmem:s31], [sflag:$0x2] =	stream.indirect.gather [hbm4b:s0+s29], $0x80, s15, s29, $0xb8;
	[tilespmem:$0x1EBE8] =	vst v63  }
0x80: {  	_ =	swait.ge [sflag:s5], $0x4000  }
0x81: {  	[sflag:s5] =	ssyncset.done $0x0  }
0x82: {  	[sflag:s5] =	ssyncadd.s32 $0xFFFFC000  }
0x83: {  	[spmem:s2] =	stream.indirect.scatter.add.f32 [tilespmem:s30], [sflag:$0x3], $0x80, s16, s29, $0xb8;
	[tilespmem:$0x1EBE8] =	vst v63  }
0x84: {  	_ = 	snop  }
0x85: {  	[spmem:s3] =	stream.indirect.scatter.add.f32 [tilespmem:s25], [sflag:$0x5], $0x1, s16, s29, $0xb8;
	[tilespmem:$0x1EBE8] =	vst v63  }
0x86: {  	_ =	swait.ge [sflag:s7], $0x4000  }
0x87: {  	[sflag:s7] =	ssyncset.done $0x0  }
0x88: {  	[sflag:s7] =	ssyncadd.s32 $0xFFFFC000  }
0x89: {  	[spmem:s2] =	stream.indirect.scatter.add.f32 [tilespmem:s31], [sflag:$0x4], $0x80, s17, s29, $0xb8;
	[tilespmem:$0x1EBE8] =	vst v63  }
0x8a: {  	_ = 	snop  }
0x8b: {  	[spmem:s3] =	stream.indirect.scatter.add.f32 [tilespmem:s25], [sflag:$0x5], $0x1, s17, s29, $0xb8;
	[tilespmem:$0x1EBE8] =	vst v63  }
0x8c: {  	_ =	swait.ge [sflag:s10], $0x4000  }
0x8d: {  	[sflag:s10] =	ssyncset.done $0x0  }
0x8e: {  	[sflag:s10] =	ssyncadd.s32 $0xFFFFC000  }
0x8f: {  	[tilespmem:s30], [sflag:$0x1] =	stream.indirect.gather [hbm4b:s0+s29], $0x80, s15, s29, $0xb8;
	[tilespmem:$0x1EBE8] =	vst v63  }
0x90: {  	_ =	swait.ge [sflag:s11], $0x4000  }
0x91: {  	[sflag:s11] =	ssyncset.done $0x0  }
0x92: {  	[sflag:s11] =	ssyncadd.s32 $0xFFFFC000  }
0x93: {  	[tilespmem:s31], [sflag:$0x2] =	stream.indirect.gather [hbm4b:s0+s29], $0x80, s15, s29, $0xb8;
	[tilespmem:$0x1EBE8] =	vst v63  }
0x94: {  	_ =	swait.ge [sflag:s5], $0x4000  }
0x95: {  	[sflag:s5] =	ssyncset.done $0x0  }
0x96: {  	[sflag:s5] =	ssyncadd.s32 $0xFFFFC000  }
0x97: {  	_ =	swait.ge [sflag:s7], $0x4000  }
0x98: {  	[sflag:s7] =	ssyncset.done $0x0  }
0x99: {  	[sflag:s7] =	ssyncadd.s32 $0xFFFFC000  }
0x9a: {  	_ =	swait.ge [sflag:s18], $0x80  }
0x9b: {  	s1 =	simm.s32 $0x27;
	[sflag:s18] =	ssyncset.done $0x0  }
.LBB2_4:
0x9c: {  	p1 =	sne.s32 s1, $0x1;
	s1 =	sadd.s32 $0xFFFFFFFF, s1;
	[sflag:s18] =	ssyncadd.s32 $0xFFFFFF80  }
.Ltmp1:
0x9d: {  	(pc) =	sbr.rel @p1 .LBB2_4-.Ltmp1, $3  }
0x9e: {  	_ =	sdelay $0x1  }
0x9f: {  	_ =	swait.ge [sflag:s18], $0x80  }
0xa0: {  	[sflag:s18] =	ssyncset.done $0x0  }
0xa1: {  	[sflag:s18] =	ssyncadd.s32 $0xFFFFFF80  }
0xa2: {  	[bflag:$0x0] =	sbarrier.arrive $0xFFFF  }
0xa3: {  	s1 =	rddreg [dreg:$0xd]  }
0xa4: {  	[hbm:s1], [sflag:s21] =	dma.local [spmem:s22], $0x2780  }
0xa5: {  	_ =	swait.ge [sflag:s26], $0x2780  }
0xa6: {  	[sflag:s26] =	ssyncset.done $0x0  }
0xa7: {  	s1 =	rddreg [dreg:$0xe];
	[sflag:s26] =	ssyncadd.s32 $0xFFFFD880  }
0xa8: {  	[hbm:s1], [sflag:s21] =	dma.local @!p0 [spmem:s24], $0x4F0  }
0xa9: {  	s1 =	simm.s32 @!p0 $0x6  }
0xaa: {  	_ =	swait.ge @!p0 [sflag:s1], $0x4F0  }
0xab: {  	[sflag:s1] =	ssyncset.done @!p0 $0x0  }
0xac: {  	[sflag:s1] =	ssyncadd.s32 @!p0 $0xFFFFFB10  }
0xad: {  	[bflag:$0x0] =	sbarrier.arrive $0xFFFF  }
0xae: {  	[spmem:s22], [sflag:s21] =	dma.local [hbm:s9], $0x2780  }
0xaf: {  	_ =	swait.ge [sflag:s26], $0x2780  }
0xb0: {  	[sflag:s26] =	ssyncset.done $0x0  }
0xb1: {  	s1 =	simm.s32 $0x0;
	s14 =	rddreg [dreg:$0xf];
	[sflag:s26] =	ssyncadd.s32 $0xFFFFD880  }
0xb2: {  	[tilespmem:s1], [sflag:$0x6] =	stream.linear.gather [hbm4b:s14+s1], $0x1400, $0x38;
	[tilespmem:$0x1EBE8] =	vst v63  }
0xb3: {  	_ =	swait.ge [sflag:s26], $0x1400  }
0xb4: {  	[sflag:s26] =	ssyncset.done $0x0  }
0xb5: {  	s28 =	simm.s32 $0x1400;
	s24 =	rddreg [dreg:$0x10];
	[sflag:s26] =	ssyncadd.s32 $0xFFFFEC00  }
0xb6: {  	[tilespmem:s28], [sflag:$0x6] =	stream.linear.gather [hbm4b:s24+s1], $0x1400, $0x38;
	[tilespmem:$0x1EBE8] =	vst v63  }
0xb7: {  	_ =	swait.ge [sflag:s26], $0x1400  }
0xb8: {  	[sflag:s26] =	ssyncset.done $0x0  }
0xb9: {  	[sflag:s26] =	ssyncadd.s32 $0xFFFFEC00  }
0xba: {  	[bflag:$0x0] =	sbarrier.arrive $0xFFFF  }
0xbb: {  	[tilespmem:s30], [sflag:$0x1] =	stream.indirect.gather [hbm4b:s0+s29], $0x80, s1, s29, $0xb8;
	[tilespmem:$0x1EBE8] =	vst v63  }
0xbc: {  	_ = 	snop  }
0xbd: {  	[tilespmem:s31], [sflag:$0x2] =	stream.indirect.gather [hbm4b:s0+s29], $0x80, s29, s29, $0xb8;
	[tilespmem:$0x1EBE8] =	vst v63  }
0xbe: {  	_ =	swait.ge [sflag:s5], $0x4000  }
0xbf: {  	[sflag:s5] =	ssyncset.done $0x0  }
0xc0: {  	s24 =	simm.s32 $0x1400;
	[sflag:s5] =	ssyncadd.s32 $0xFFFFC000  }
0xc1: {  	[spmem:s2] =	stream.indirect.scatter.add.f32 [tilespmem:s30], [sflag:$0x3], $0x80, s24, s29, $0xb8;
	[tilespmem:$0x1EBE8] =	vst v63  }
0xc2: {  	_ = 	snop  }
0xc3: {  	[spmem:s4] =	stream.indirect.scatter.add.f32 [tilespmem:s25], [sflag:$0x5], $0x1, s24, s29, $0xb8;
	[tilespmem:$0x1EBE8] =	vst v63  }
0xc4: {  	_ =	swait.ge [sflag:s7], $0x4000  }
0xc5: {  	[sflag:s7] =	ssyncset.done $0x0  }
0xc6: {  	s14 =	simm.s32 $0x1480;
	[sflag:s7] =	ssyncadd.s32 $0xFFFFC000  }
0xc7: {  	[spmem:s2] =	stream.indirect.scatter.add.f32 [tilespmem:s31], [sflag:$0x4], $0x80, s14, s29, $0xb8;
	[tilespmem:$0x1EBE8] =	vst v63  }
0xc8: {  	_ = 	snop  }
0xc9: {  	[spmem:s4] =	stream.indirect.scatter.add.f32 [tilespmem:s25], [sflag:$0x5], $0x1, s14, s29, $0xb8;
	[tilespmem:$0x1EBE8] =	vst v63  }
0xca: {  	_ =	swait.ge [sflag:s10], $0x4000  }
0xcb: {  	[sflag:s10] =	ssyncset.done $0x0  }
0xcc: {  	s24 =	simm.s32 $0x100;
	[sflag:s10] =	ssyncadd.s32 $0xFFFFC000  }
0xcd: {  	[tilespmem:s30], [sflag:$0x1] =	stream.indirect.gather [hbm4b:s0+s29], $0x80, s24, s29, $0xb8;
	[tilespmem:$0x1EBE8] =	vst v63  }
0xce: {  	_ =	swait.ge [sflag:s11], $0x4000  }
0xcf: {  	[sflag:s11] =	ssyncset.done $0x0  }
0xd0: {  	s1 =	simm.s32 $0x400;
	s24 =	simm.s32 $0x180;
	[sflag:s11] =	ssyncadd.s32 $0xFFFFC000  }
.LBB2_6:
0xd1: {  	[tilespmem:s31], [sflag:$0x2] =	stream.indirect.gather [hbm4b:s0+s29], $0x80, s24, s29, $0xb8;
	[tilespmem:$0x1EBE8] =	vst v63  }
0xd2: {  	s14 =	smov.u32 s1  }
0xd3: {  	p1 =	sne.s32 s1, $0x4400;
	s1 =	sadd.s32 $0x400, s1;
	_ =	swait.ge [sflag:s5], $0x4000  }
0xd4: {  	s14 =	sshra.s32 s14, $0x2;
	[sflag:s5] =	ssyncset.done $0x0  }
0xd5: {  	s24 =	sadd.s32 $0x1400, s14;
	[sflag:s5] =	ssyncadd.s32 $0xFFFFC000  }
0xd6: {  	[spmem:s2] =	stream.indirect.scatter.add.f32 [tilespmem:s30], [sflag:$0x3], $0x80, s24, s29, $0xb8;
	[tilespmem:$0x1EBE8] =	vst v63  }
0xd7: {  	_ = 	snop  }
0xd8: {  	[spmem:s4] =	stream.indirect.scatter.add.f32 [tilespmem:s25], [sflag:$0x5], $0x1, s24, s29, $0xb8;
	[tilespmem:$0x1EBE8] =	vst v63  }
0xd9: {  	_ =	swait.ge [sflag:s7], $0x4000  }
0xda: {  	[sflag:s7] =	ssyncset.done $0x0  }
0xdb: {  	s24 =	sadd.s32 $0x1480, s14;
	[sflag:s7] =	ssyncadd.s32 $0xFFFFC000  }
0xdc: {  	[spmem:s2] =	stream.indirect.scatter.add.f32 [tilespmem:s31], [sflag:$0x4], $0x80, s24, s29, $0xb8;
	[tilespmem:$0x1EBE8] =	vst v63  }
0xdd: {  	_ = 	snop  }
0xde: {  	[spmem:s4] =	stream.indirect.scatter.add.f32 [tilespmem:s25], [sflag:$0x5], $0x1, s24, s29, $0xb8;
	[tilespmem:$0x1EBE8] =	vst v63  }
0xdf: {  	_ =	swait.ge [sflag:s10], $0x4000  }
0xe0: {  	[sflag:s10] =	ssyncset.done $0x0  }
.Ltmp2:
0xe1: {  	s24 =	sadd.s32 $0x100, s14;
	[sflag:s10] =	ssyncadd.s32 $0xFFFFC000;
	(pc) =	sbr.rel @p1 .LBB2_6-.Ltmp2, $4  }
0xe2: {  	[tilespmem:s30], [sflag:$0x1] =	stream.indirect.gather [hbm4b:s0+s29], $0x80, s24, s29, $0xb8;
	[tilespmem:$0x1EBE8] =	vst v63  }
0xe3: {  	_ =	swait.ge [sflag:s11], $0x4000  }
0xe4: {  	[sflag:s11] =	ssyncset.done $0x0  }
0xe5: {  	s24 =	sadd.s32 $0x180, s14;
	[sflag:s11] =	ssyncadd.s32 $0xFFFFC000  }
0xe6: {  	[tilespmem:s31], [sflag:$0x2] =	stream.indirect.gather [hbm4b:s0+s29], $0x80, s24, s29, $0xb8;
	[tilespmem:$0x1EBE8] =	vst v63  }
0xe7: {  	_ =	swait.ge [sflag:s5], $0x4000  }
0xe8: {  	[sflag:s5] =	ssyncset.done $0x0  }
0xe9: {  	[sflag:s5] =	ssyncadd.s32 $0xFFFFC000  }
0xea: {  	[spmem:s2] =	stream.indirect.scatter.add.f32 [tilespmem:s30], [sflag:$0x3], $0x80, s12, s29, $0xb8;
	[tilespmem:$0x1EBE8] =	vst v63  }
0xeb: {  	_ = 	snop  }
0xec: {  	[spmem:s4] =	stream.indirect.scatter.add.f32 [tilespmem:s25], [sflag:$0x5], $0x1, s12, s29, $0xb8;
	[tilespmem:$0x1EBE8] =	vst v63  }
0xed: {  	_ =	swait.ge [sflag:s7], $0x4000  }
0xee: {  	[sflag:s7] =	ssyncset.done $0x0  }
0xef: {  	[sflag:s7] =	ssyncadd.s32 $0xFFFFC000  }
0xf0: {  	[spmem:s2] =	stream.indirect.scatter.add.f32 [tilespmem:s31], [sflag:$0x4], $0x80, s13, s29, $0xb8;
	[tilespmem:$0x1EBE8] =	vst v63  }
0xf1: {  	_ = 	snop  }
0xf2: {  	[spmem:s4] =	stream.indirect.scatter.add.f32 [tilespmem:s25], [sflag:$0x5], $0x1, s13, s29, $0xb8;
	[tilespmem:$0x1EBE8] =	vst v63  }
0xf3: {  	_ =	swait.ge [sflag:s10], $0x4000  }
0xf4: {  	[sflag:s10] =	ssyncset.done $0x0  }
0xf5: {  	s1 =	simm.s32 $0x1300;
	[sflag:s10] =	ssyncadd.s32 $0xFFFFC000  }
0xf6: {  	[tilespmem:s30], [sflag:$0x1] =	stream.indirect.gather [hbm4b:s0+s29], $0x80, s1, s29, $0xb8;
	[tilespmem:$0x1EBE8] =	vst v63  }
0xf7: {  	_ =	swait.ge [sflag:s11], $0x4000  }
0xf8: {  	[sflag:s11] =	ssyncset.done $0x0  }
0xf9: {  	[sflag:s11] =	ssyncadd.s32 $0xFFFFC000  }
0xfa: {  	[tilespmem:s31], [sflag:$0x2] =	stream.indirect.gather [hbm4b:s0+s29], $0x80, s15, s29, $0xb8;
	[tilespmem:$0x1EBE8] =	vst v63  }
0xfb: {  	_ =	swait.ge [sflag:s5], $0x4000  }
0xfc: {  	[sflag:s5] =	ssyncset.done $0x0  }
0xfd: {  	[sflag:s5] =	ssyncadd.s32 $0xFFFFC000  }
0xfe: {  	[spmem:s2] =	stream.indirect.scatter.add.f32 [tilespmem:s30], [sflag:$0x3], $0x80, s16, s29, $0xb8;
	[tilespmem:$0x1EBE8] =	vst v63  }
0xff: {  	_ = 	snop  }
0x100: {  	[spmem:s4] =	stream.indirect.scatter.add.f32 [tilespmem:s25], [sflag:$0x5], $0x1, s16, s29, $0xb8;
	[tilespmem:$0x1EBE8] =	vst v63  }
0x101: {  	_ =	swait.ge [sflag:s7], $0x4000  }
0x102: {  	[sflag:s7] =	ssyncset.done $0x0  }
0x103: {  	[sflag:s7] =	ssyncadd.s32 $0xFFFFC000  }
0x104: {  	[spmem:s2] =	stream.indirect.scatter.add.f32 [tilespmem:s31], [sflag:$0x4], $0x80, s17, s29, $0xb8;
	[tilespmem:$0x1EBE8] =	vst v63  }
0x105: {  	_ = 	snop  }
0x106: {  	[spmem:s4] =	stream.indirect.scatter.add.f32 [tilespmem:s25], [sflag:$0x5], $0x1, s17, s29, $0xb8;
	[tilespmem:$0x1EBE8] =	vst v63  }
0x107: {  	_ =	swait.ge [sflag:s10], $0x4000  }
0x108: {  	[sflag:s10] =	ssyncset.done $0x0  }
0x109: {  	[sflag:s10] =	ssyncadd.s32 $0xFFFFC000  }
0x10a: {  	[tilespmem:s30], [sflag:$0x1] =	stream.indirect.gather [hbm4b:s0+s29], $0x80, s15, s29, $0xb8;
	[tilespmem:$0x1EBE8] =	vst v63  }
0x10b: {  	_ =	swait.ge [sflag:s11], $0x4000  }
0x10c: {  	[sflag:s11] =	ssyncset.done $0x0  }
0x10d: {  	[sflag:s11] =	ssyncadd.s32 $0xFFFFC000  }
0x10e: {  	[tilespmem:s31], [sflag:$0x2] =	stream.indirect.gather [hbm4b:s0+s29], $0x80, s15, s29, $0xb8;
	[tilespmem:$0x1EBE8] =	vst v63  }
0x10f: {  	_ =	swait.ge [sflag:s5], $0x4000  }
0x110: {  	[sflag:s5] =	ssyncset.done $0x0  }
0x111: {  	[sflag:s5] =	ssyncadd.s32 $0xFFFFC000  }
0x112: {  	_ =	swait.ge [sflag:s7], $0x4000  }
0x113: {  	[sflag:s7] =	ssyncset.done $0x0  }
0x114: {  	[sflag:s7] =	ssyncadd.s32 $0xFFFFC000  }
0x115: {  	_ =	swait.ge [sflag:s18], $0x80  }
0x116: {  	s1 =	simm.s32 $0x27;
	[sflag:s18] =	ssyncset.done $0x0  }
.LBB2_8:
0x117: {  	p1 =	sne.s32 s1, $0x1;
	s1 =	sadd.s32 $0xFFFFFFFF, s1;
	[sflag:s18] =	ssyncadd.s32 $0xFFFFFF80  }
.Ltmp3:
0x118: {  	(pc) =	sbr.rel @p1 .LBB2_8-.Ltmp3, $3  }
0x119: {  	_ =	sdelay $0x1  }
0x11a: {  	_ =	swait.ge [sflag:s18], $0x80  }
0x11b: {  	[sflag:s18] =	ssyncset.done $0x0  }
0x11c: {  	[sflag:s18] =	ssyncadd.s32 $0xFFFFFF80  }
0x11d: {  	[bflag:$0x0] =	sbarrier.arrive $0xFFFF  }
0x11e: {  	s1 =	rddreg [dreg:$0x11]  }
0x11f: {  	[hbm:s1], [sflag:s21] =	dma.local [spmem:s22], $0x2780  }
0x120: {  	_ =	swait.ge [sflag:s26], $0x2780  }
0x121: {  	[sflag:s26] =	ssyncset.done $0x0  }
0x122: {  	s1 =	rddreg [dreg:$0x12];
	[sflag:s26] =	ssyncadd.s32 $0xFFFFD880  }
0x123: {  	[hbm:s1], [sflag:s21] =	dma.local @!p0 [spmem:s23], $0x4F0  }
0x124: {  	s1 =	simm.s32 @!p0 $0x6  }
0x125: {  	_ =	swait.ge @!p0 [sflag:s1], $0x4F0  }
0x126: {  	[sflag:s1] =	ssyncset.done @!p0 $0x0  }
0x127: {  	[sflag:s1] =	ssyncadd.s32 @!p0 $0xFFFFFB10  }
0x128: {  	[bflag:$0x0] =	sbarrier.arrive $0xFFFF  }
0x129: {  	[spmem:s22], [sflag:s21] =	dma.local [hbm:s9], $0x2780  }
0x12a: {  	_ =	swait.ge [sflag:s26], $0x2780  }
0x12b: {  	[sflag:s26] =	ssyncset.done $0x0  }
0x12c: {  	s23 =	simm.s32 $0x0;
	s14 =	rddreg [dreg:$0x13];
	[sflag:s26] =	ssyncadd.s32 $0xFFFFD880  }
0x12d: {  	[tilespmem:s23], [sflag:$0x6] =	stream.linear.gather [hbm4b:s14+s23], $0x1400, $0x38;
	[tilespmem:$0x1EBE8] =	vst v63  }
0x12e: {  	_ =	swait.ge [sflag:s26], $0x1400  }
0x12f: {  	[sflag:s26] =	ssyncset.done $0x0  }
0x130: {  	s24 =	rddreg [dreg:$0x14];
	[sflag:s26] =	ssyncadd.s32 $0xFFFFEC00  }
0x131: {  	[tilespmem:s28], [sflag:$0x6] =	stream.linear.gather [hbm4b:s24+s23], $0x1400, $0x38;
	[tilespmem:$0x1EBE8] =	vst v63  }
0x132: {  	_ =	swait.ge [sflag:s26], $0x1400  }
0x133: {  	[sflag:s26] =	ssyncset.done $0x0  }
0x134: {  	[sflag:s26] =	ssyncadd.s32 $0xFFFFEC00  }
0x135: {  	[bflag:$0x0] =	sbarrier.arrive $0xFFFF  }
0x136: {  	[tilespmem:s30], [sflag:$0x1] =	stream.indirect.gather [hbm4b:s0+s29], $0x80, s23, s29, $0xb8;
	[tilespmem:$0x1EBE8] =	vst v63  }
0x137: {  	_ = 	snop  }
0x138: {  	[tilespmem:s31], [sflag:$0x2] =	stream.indirect.gather [hbm4b:s0+s29], $0x80, s29, s29, $0xb8;
	[tilespmem:$0x1EBE8] =	vst v63  }
0x139: {  	_ =	swait.ge [sflag:s5], $0x4000  }
0x13a: {  	[sflag:s5] =	ssyncset.done $0x0  }
0x13b: {  	s14 =	simm.s32 $0x1400;
	[sflag:s5] =	ssyncadd.s32 $0xFFFFC000  }
0x13c: {  	[spmem:s2] =	stream.indirect.scatter.add.f32 [tilespmem:s30], [sflag:$0x3], $0x80, s14, s29, $0xb8;
	[tilespmem:$0x1EBE8] =	vst v63  }
0x13d: {  	_ = 	snop  }
0x13e: {  	[spmem:s6] =	stream.indirect.scatter.add.f32 [tilespmem:s25], [sflag:$0x5], $0x1, s14, s29, $0xb8;
	[tilespmem:$0x1EBE8] =	vst v63  }
0x13f: {  	_ =	swait.ge [sflag:s7], $0x4000  }
0x140: {  	[sflag:s7] =	ssyncset.done $0x0  }
0x141: {  	s23 =	simm.s32 $0x1480;
	[sflag:s7] =	ssyncadd.s32 $0xFFFFC000  }
0x142: {  	[spmem:s2] =	stream.indirect.scatter.add.f32 [tilespmem:s31], [sflag:$0x4], $0x80, s23, s29, $0xb8;
	[tilespmem:$0x1EBE8] =	vst v63  }
0x143: {  	_ = 	snop  }
0x144: {  	[spmem:s6] =	stream.indirect.scatter.add.f32 [tilespmem:s25], [sflag:$0x5], $0x1, s23, s29, $0xb8;
	[tilespmem:$0x1EBE8] =	vst v63  }
0x145: {  	_ =	swait.ge [sflag:s10], $0x4000  }
0x146: {  	[sflag:s10] =	ssyncset.done $0x0  }
0x147: {  	s24 =	simm.s32 $0x100;
	[sflag:s10] =	ssyncadd.s32 $0xFFFFC000  }
0x148: {  	[tilespmem:s30], [sflag:$0x1] =	stream.indirect.gather [hbm4b:s0+s29], $0x80, s24, s29, $0xb8;
	[tilespmem:$0x1EBE8] =	vst v63  }
0x149: {  	_ =	swait.ge [sflag:s11], $0x4000  }
0x14a: {  	[sflag:s11] =	ssyncset.done $0x0  }
0x14b: {  	s1 =	simm.s32 $0x400;
	s23 =	simm.s32 $0x180;
	[sflag:s11] =	ssyncadd.s32 $0xFFFFC000  }
.LBB2_10:
0x14c: {  	[tilespmem:s31], [sflag:$0x2] =	stream.indirect.gather [hbm4b:s0+s29], $0x80, s23, s29, $0xb8;
	[tilespmem:$0x1EBE8] =	vst v63  }
0x14d: {  	s14 =	smov.u32 s1  }
0x14e: {  	p1 =	sne.s32 s1, $0x4400;
	s1 =	sadd.s32 $0x400, s1;
	_ =	swait.ge [sflag:s5], $0x4000  }
0x14f: {  	s14 =	sshra.s32 s14, $0x2;
	[sflag:s5] =	ssyncset.done $0x0  }
0x150: {  	s23 =	sadd.s32 $0x1400, s14;
	[sflag:s5] =	ssyncadd.s32 $0xFFFFC000  }
0x151: {  	[spmem:s2] =	stream.indirect.scatter.add.f32 [tilespmem:s30], [sflag:$0x3], $0x80, s23, s29, $0xb8;
	[tilespmem:$0x1EBE8] =	vst v63  }
0x152: {  	_ = 	snop  }
0x153: {  	[spmem:s6] =	stream.indirect.scatter.add.f32 [tilespmem:s25], [sflag:$0x5], $0x1, s23, s29, $0xb8;
	[tilespmem:$0x1EBE8] =	vst v63  }
0x154: {  	_ =	swait.ge [sflag:s7], $0x4000  }
0x155: {  	[sflag:s7] =	ssyncset.done $0x0  }
0x156: {  	s23 =	sadd.s32 $0x1480, s14;
	[sflag:s7] =	ssyncadd.s32 $0xFFFFC000  }
0x157: {  	[spmem:s2] =	stream.indirect.scatter.add.f32 [tilespmem:s31], [sflag:$0x4], $0x80, s23, s29, $0xb8;
	[tilespmem:$0x1EBE8] =	vst v63  }
0x158: {  	_ = 	snop  }
0x159: {  	[spmem:s6] =	stream.indirect.scatter.add.f32 [tilespmem:s25], [sflag:$0x5], $0x1, s23, s29, $0xb8;
	[tilespmem:$0x1EBE8] =	vst v63  }
0x15a: {  	_ =	swait.ge [sflag:s10], $0x4000  }
0x15b: {  	[sflag:s10] =	ssyncset.done $0x0  }
.Ltmp4:
0x15c: {  	s23 =	sadd.s32 $0x100, s14;
	[sflag:s10] =	ssyncadd.s32 $0xFFFFC000;
	(pc) =	sbr.rel @p1 .LBB2_10-.Ltmp4, $4  }
0x15d: {  	[tilespmem:s30], [sflag:$0x1] =	stream.indirect.gather [hbm4b:s0+s29], $0x80, s23, s29, $0xb8;
	[tilespmem:$0x1EBE8] =	vst v63  }
0x15e: {  	_ =	swait.ge [sflag:s11], $0x4000  }
0x15f: {  	[sflag:s11] =	ssyncset.done $0x0  }
0x160: {  	s23 =	sadd.s32 $0x180, s14;
	[sflag:s11] =	ssyncadd.s32 $0xFFFFC000  }
0x161: {  	[tilespmem:s31], [sflag:$0x2] =	stream.indirect.gather [hbm4b:s0+s29], $0x80, s23, s29, $0xb8;
	[tilespmem:$0x1EBE8] =	vst v63  }
0x162: {  	_ =	swait.ge [sflag:s5], $0x4000  }
0x163: {  	[sflag:s5] =	ssyncset.done $0x0  }
0x164: {  	[sflag:s5] =	ssyncadd.s32 $0xFFFFC000  }
0x165: {  	[spmem:s2] =	stream.indirect.scatter.add.f32 [tilespmem:s30], [sflag:$0x3], $0x80, s12, s29, $0xb8;
	[tilespmem:$0x1EBE8] =	vst v63  }
0x166: {  	_ = 	snop  }
0x167: {  	[spmem:s6] =	stream.indirect.scatter.add.f32 [tilespmem:s25], [sflag:$0x5], $0x1, s12, s29, $0xb8;
	[tilespmem:$0x1EBE8] =	vst v63  }
0x168: {  	_ =	swait.ge [sflag:s7], $0x4000  }
0x169: {  	[sflag:s7] =	ssyncset.done $0x0  }
0x16a: {  	[sflag:s7] =	ssyncadd.s32 $0xFFFFC000  }
0x16b: {  	[spmem:s2] =	stream.indirect.scatter.add.f32 [tilespmem:s31], [sflag:$0x4], $0x80, s13, s29, $0xb8;
	[tilespmem:$0x1EBE8] =	vst v63  }
0x16c: {  	_ = 	snop  }
0x16d: {  	[spmem:s6] =	stream.indirect.scatter.add.f32 [tilespmem:s25], [sflag:$0x5], $0x1, s13, s29, $0xb8;
	[tilespmem:$0x1EBE8] =	vst v63  }
0x16e: {  	_ =	swait.ge [sflag:s10], $0x4000  }
0x16f: {  	[sflag:s10] =	ssyncset.done $0x0  }
0x170: {  	s1 =	simm.s32 $0x1300;
	[sflag:s10] =	ssyncadd.s32 $0xFFFFC000  }
0x171: {  	[tilespmem:s30], [sflag:$0x1] =	stream.indirect.gather [hbm4b:s0+s29], $0x80, s1, s29, $0xb8;
	[tilespmem:$0x1EBE8] =	vst v63  }
0x172: {  	_ =	swait.ge [sflag:s11], $0x4000  }
0x173: {  	[sflag:s11] =	ssyncset.done $0x0  }
0x174: {  	[sflag:s11] =	ssyncadd.s32 $0xFFFFC000  }
0x175: {  	[tilespmem:s31], [sflag:$0x2] =	stream.indirect.gather [hbm4b:s0+s29], $0x80, s15, s29, $0xb8;
	[tilespmem:$0x1EBE8] =	vst v63  }
0x176: {  	_ =	swait.ge [sflag:s5], $0x4000  }
0x177: {  	[sflag:s5] =	ssyncset.done $0x0  }
0x178: {  	[sflag:s5] =	ssyncadd.s32 $0xFFFFC000  }
0x179: {  	[spmem:s2] =	stream.indirect.scatter.add.f32 [tilespmem:s30], [sflag:$0x3], $0x80, s16, s29, $0xb8;
	[tilespmem:$0x1EBE8] =	vst v63  }
0x17a: {  	_ = 	snop  }
0x17b: {  	[spmem:s6] =	stream.indirect.scatter.add.f32 [tilespmem:s25], [sflag:$0x5], $0x1, s16, s29, $0xb8;
	[tilespmem:$0x1EBE8] =	vst v63  }
0x17c: {  	_ =	swait.ge [sflag:s7], $0x4000  }
0x17d: {  	[sflag:s7] =	ssyncset.done $0x0  }
0x17e: {  	[sflag:s7] =	ssyncadd.s32 $0xFFFFC000  }
0x17f: {  	[spmem:s2] =	stream.indirect.scatter.add.f32 [tilespmem:s31], [sflag:$0x4], $0x80, s17, s29, $0xb8;
	[tilespmem:$0x1EBE8] =	vst v63  }
0x180: {  	_ = 	snop  }
0x181: {  	[spmem:s6] =	stream.indirect.scatter.add.f32 [tilespmem:s25], [sflag:$0x5], $0x1, s17, s29, $0xb8;
	[tilespmem:$0x1EBE8] =	vst v63  }
0x182: {  	_ =	swait.ge [sflag:s10], $0x4000  }
0x183: {  	[sflag:s10] =	ssyncset.done $0x0  }
0x184: {  	[sflag:s10] =	ssyncadd.s32 $0xFFFFC000  }
0x185: {  	[tilespmem:s30], [sflag:$0x1] =	stream.indirect.gather [hbm4b:s0+s29], $0x80, s15, s29, $0xb8;
	[tilespmem:$0x1EBE8] =	vst v63  }
0x186: {  	_ =	swait.ge [sflag:s11], $0x4000  }
0x187: {  	[sflag:s11] =	ssyncset.done $0x0  }
0x188: {  	[sflag:s11] =	ssyncadd.s32 $0xFFFFC000  }
0x189: {  	[tilespmem:s31], [sflag:$0x2] =	stream.indirect.gather [hbm4b:s0+s29], $0x80, s15, s29, $0xb8;
	[tilespmem:$0x1EBE8] =	vst v63  }
0x18a: {  	_ =	swait.ge [sflag:s5], $0x4000  }
0x18b: {  	[sflag:s5] =	ssyncset.done $0x0  }
0x18c: {  	[sflag:s5] =	ssyncadd.s32 $0xFFFFC000  }
0x18d: {  	_ =	swait.ge [sflag:s7], $0x4000  }
0x18e: {  	[sflag:s7] =	ssyncset.done $0x0  }
0x18f: {  	[sflag:s7] =	ssyncadd.s32 $0xFFFFC000  }
0x190: {  	_ =	swait.ge [sflag:s18], $0x80  }
0x191: {  	s1 =	simm.s32 $0x27;
	[sflag:s18] =	ssyncset.done $0x0  }
.LBB2_12:
0x192: {  	p1 =	sne.s32 s1, $0x1;
	s1 =	sadd.s32 $0xFFFFFFFF, s1;
	[sflag:s18] =	ssyncadd.s32 $0xFFFFFF80  }
.Ltmp5:
0x193: {  	(pc) =	sbr.rel @p1 .LBB2_12-.Ltmp5, $3  }
0x194: {  	_ =	sdelay $0x1  }
0x195: {  	_ =	swait.ge [sflag:s18], $0x80  }
0x196: {  	[sflag:s18] =	ssyncset.done $0x0  }
0x197: {  	[sflag:s18] =	ssyncadd.s32 $0xFFFFFF80  }
0x198: {  	[bflag:$0x0] =	sbarrier.arrive $0xFFFF  }
0x199: {  	s1 =	rddreg [dreg:$0x15]  }
0x19a: {  	[hbm:s1], [sflag:s21] =	dma.local [spmem:s22], $0x2780  }
0x19b: {  	_ =	swait.ge [sflag:s26], $0x2780  }
0x19c: {  	[sflag:s26] =	ssyncset.done $0x0  }
0x19d: {  	s1 =	rddreg [dreg:$0x16];
	[sflag:s26] =	ssyncadd.s32 $0xFFFFD880  }
0x19e: {  	[hbm:s1], [sflag:s21] =	dma.local @!p0 [spmem:s20], $0x4F0  }
0x19f: {  	s1 =	simm.s32 @!p0 $0x6  }
0x1a0: {  	_ =	swait.ge @!p0 [sflag:s1], $0x4F0  }
0x1a1: {  	s19 =	sadd.s32 $0x1, s19;
	s24 =	rddreg [dreg:$0x17]  }
0x1a2: {  	p1 =	sne.s32 s19, s24  }
.Ltmp6:
0x1a3: {  	_ = 	snop;
	(pc) =	sbr.rel @p1 .LBB2_1-.Ltmp6, $3  }
0x1a4: {  	[sflag:s1] =	ssyncset.done @!p0 $0x0  }
0x1a5: {  	[sflag:s1] =	ssyncadd.s32 @!p0 $0xFFFFFB10  }
0x1a6: {  	[bflag:$0x0] =	sbarrier.arrive $0xFFFF;
	_ =	sdelay $0x1  }
0x1a7: {  	_ =	sfence.sel $0x180000  }
0x1a8: {  	[bflag:$0x0] =	sbarrier.arrive $0xFFFF  }
0x1a9: {  	_ =	strace $0x90000047  }
0x1aa: {  	[bflag:$0x2] =	sbarrier.arrive $0xFFFF  }
0x1ab: {  	s0 =	rddreg [dreg:$0x8]  }
0x1ac: {  	s0 =	sadd.s32 @!p0 $0x100000, s0  }
0x1ad: {  	[sflag:s0] =	ssyncadd.tile.s32 @!p0 $0x1;
	_ =	shalt  }
.Lfunc_end2:
_tile_overlayer_lowered:
.L_overlay_start_2:
0x1ae: {  	(tag) =	ssettag $0x2  }
0x1af: {  	s0 =	rddreg [dreg:$0x0];
	s2 =	stileid.u32  }
0x1b0: {  	s1 =	rddreg [dreg:$0x1];
	p0 =	sne.s32 s2, $0x0  }
0x1b1: {  	s3 =	rddreg [dreg:$0x2];
	[bflag:$0x3] =	sbarrier.arrive $0xFFFF;
	s2 =	simm.s32 @!p0 $0x1C06  }
0x1b2: {  	[timem:s3], [sflag:s2] =	dma.local @!p0 [hbm:s0], s1  }
0x1b3: {  	s0 =	simm.s32 @!p0 $0x6  }
0x1b4: {  	_ =	swait.ge @!p0 [sflag:s0], s1  }
0x1b5: {  	s1 =	ssub.s32 @!p0 $0x0, s1;
	[sflag:s0] =	ssyncset.done @!p0 $0x0  }
0x1b6: {  	[sflag:s0] =	ssyncadd.s32 @!p0 s1  }
0x1b7: {  	[bflag:$0x3] =	sbarrier.arrive $0xFFFF  }
0x1b8: {  	_ =	shalt  }

</sc_bundles>
